<compile_context>
chip_gen: v7x
topology: tpu7x:2x2x1
jax: 0.10.2.dev20260603
libtpu: 0.0.44.dev20260713+nightly
codegen_flags: <defaults>
</compile_context>

<pallas_src>
import functools
import math

import jax
import jax.numpy as jnp
from jax import lax
from jax.experimental import pallas as pl
from jax.experimental.pallas import tpu as pltpu
from jax.experimental.pallas import tpu_sc as plsc

T, B, C, H, W = 4, 16, 256, 14, 14
HW = H * W
E, K = 8, 2
HID, OUT = 256, 256
_BN_INV = 1.0 / math.sqrt(1.0 + 1e-5)


def _logits_body(x_ref, wr_ref, logit_ref):
    x = x_ref[:, 0]
    ones = jnp.full((HW, 1), 1.0, jnp.float32)
    v = jnp.zeros((C, HW), jnp.float32)
    srows = []
    for t in range(T):
        v = v + (x[t] - v) / 2.0
        sb = (v - 1.0) >= 0.0
        s = sb.astype(jnp.float32)
        v = jnp.where(sb, 0.0, v)
        srows.append(jnp.dot(s, ones, preferred_element_type=jnp.float32))
    S = jnp.concatenate(srows, axis=1)
    logits = jax.lax.dot_general(
        S, wr_ref[...], (((0,), (1,)), ((), ())),
        preferred_element_type=jnp.float32)
    logit_ref[0] = logits * (1.0 / HW)


def _sc_router(logit_hbm, idx_hbm, wk_hbm, lv, iv, wv):
    c = lax.axis_index("c")
    s = lax.axis_index("s")

    @pl.when(c + s == 0)
    def _():
        pltpu.sync_copy(logit_hbm, lv)
        for t in range(T):
            m1 = jnp.full((16,), -1e30, jnp.float32)
            m2 = jnp.full((16,), -1e30, jnp.float32)
            i1 = jnp.zeros((16,), jnp.int32)
            i2 = jnp.zeros((16,), jnp.int32)
            for e in range(E):
                val = lv[pl.ds((t * E + e) * 16, 16)]
                ev = jnp.full((16,), e, jnp.int32)
                gt1 = val > m1
                gt2 = val > m2
                i2 = jnp.where(gt1, i1, jnp.where(gt2, ev, i2))
                m2 = jnp.where(gt1, m1, jnp.where(gt2, val, m2))
                i1 = jnp.where(gt1, ev, i1)
                m1 = jnp.where(gt1, val, m1)
            w1 = 1.0 / (1.0 + jnp.exp(m2 - m1))
            iv[0, t] = i1
            iv[1, t] = i2
            wv[0, t] = w1
            wv[1, t] = 1.0 - w1
        pltpu.sync_copy(iv, idx_hbm)
        pltpu.sync_copy(wv, wk_hbm)


def _expert_body(idx_ref, wk_ref, taus_ref, tok_ref, w1_ref, w2_ref,
                 out_ref):
    b = pl.program_id(0)
    for t in range(T):
        tok = tok_ref[t, 0]
        acc = jnp.zeros((OUT, HW), jnp.float32)
        for k in range(K):
            e = idx_ref[k, t, b]
            tau = taus_ref[e]
            s1 = ((tok / tau - 1.0) >= 0.0).astype(jnp.bfloat16)
            h = jnp.dot(w1_ref[e], s1, preferred_element_type=jnp.float32)
            x2 = tok + h
            s2 = ((x2 / tau - 1.0) >= 0.0).astype(jnp.bfloat16)
            o = jnp.dot(w2_ref[e], s2, preferred_element_type=jnp.float32)
            acc = acc + wk_ref[k, t, b] * (o + x2)
        out_ref[t, 0] = acc.astype(jnp.bfloat16)


def kernel(x, Wr, br, gr, betar, W1, b1, g1, bt1, W2, b2, g2, bt2):
    f32 = jnp.float32
    taus = jnp.linspace(1.5, 4.0, E).astype(f32)
    wr_eff = Wr * _BN_INV
    w1_bf = (W1 * _BN_INV).astype(jnp.bfloat16)
    w2_bf = (W2 * _BN_INV).astype(jnp.bfloat16)
    x2d = x.reshape(T, B, C, HW)

    logits_bt = pl.pallas_call(
        _logits_body,
        grid=(B,),
        in_specs=[
            pl.BlockSpec((T, 1, C, HW), lambda b: (0, b, 0, 0)),
            pl.BlockSpec((E, C), lambda b: (0, 0)),
        ],
        out_specs=pl.BlockSpec((1, T, E), lambda b: (b, 0, 0)),
        out_shape=jax.ShapeDtypeStruct((B, T, E), f32),
    )(x2d, wr_eff)

    sc_route = functools.partial(
        pl.kernel,
        mesh=plsc.VectorSubcoreMesh(core_axis_name="c", subcore_axis_name="s"),
        out_type=[
            jax.ShapeDtypeStruct((K, T, B), jnp.int32),
            jax.ShapeDtypeStruct((K, T, B), f32),
        ],
        scratch_types=[
            pltpu.VMEM((T * E * B,), f32),
            pltpu.VMEM((K, T, B), jnp.int32),
            pltpu.VMEM((K, T, B), f32),
        ],
    )(_sc_router)
    logits_teb = jnp.transpose(logits_bt, (1, 2, 0)).reshape(T * E * B)
    idx_ktb, wk_ktb = sc_route(logits_teb)

    out = pl.pallas_call(
        _expert_body,
        grid=(B,),
        in_specs=[
            pl.BlockSpec(memory_space=pltpu.SMEM),
            pl.BlockSpec(memory_space=pltpu.SMEM),
            pl.BlockSpec(memory_space=pltpu.SMEM),
            pl.BlockSpec((T, 1, C, HW), lambda b: (0, b, 0, 0)),
            pl.BlockSpec((E, HID, C), lambda b: (0, 0, 0)),
            pl.BlockSpec((E, OUT, HID), lambda b: (0, 0, 0)),
        ],
        out_specs=pl.BlockSpec((T, 1, OUT, HW), lambda b: (0, b, 0, 0)),
        out_shape=jax.ShapeDtypeStruct((T, B, OUT, HW), jnp.bfloat16),
    )(idx_ktb, wk_ktb, taus, x2d, w1_bf, w2_bf)

    return out.reshape(T, B, OUT, H, W).astype(f32)

# --- scband reference (transcript-rebuilt; emitter-appended) ---
"""Pipeline reference for scband-ms-mo-e-conv-7301444403349 (READ-ONLY COPY).

The authoritative reference and input builder live on the scoring server;
editing this copy changes nothing except your own understanding.
"""

import jax, jax.numpy as jnp
import numpy as np

T, B, C, H, W = 4, 16, 256, 14, 14
E, K = 8, 2
HID, OUT = 256, 256

@jax.custom_vjp
def heaviside(x):
    return (x >= 0.0).astype(x.dtype)

def _hv_fwd(x):
    return (x >= 0.0).astype(x.dtype), x

def _hv_bwd(x, g):
    a = 4.0
    s = jax.nn.sigmoid(a * x)
    return (g * a * s * (1.0 - s),)

heaviside.defvjp(_hv_fwd, _hv_bwd)

def conv1x1(x, Wt, b):
    return jnp.einsum('nchw,oc->nohw', x, Wt) + b[None, :, None, None]

def bn(x, g, b):
    # inference-mode BatchNorm2d with running_mean=0, running_var=1, eps=1e-5
    return x / jnp.sqrt(1.0 + 1e-5) * g[None, :, None, None] + b[None, :, None, None]

def lif_multistep(x, tau):
    # spikingjelly MultiStepLIFNode: v += (x - (v - v_reset))/tau; hard reset; detach_reset
    def step(v, xt):
        v = v + (xt - v) / tau
        s = heaviside(v - 1.0)
        v = v * (1.0 - jax.lax.stop_gradient(s))
        return v, s
    _, spikes = jax.lax.scan(step, jnp.zeros_like(x[0]), x)
    return spikes

def expert_apply(tok, tau, W1, b1, g1, bt1, W2, b2, g2, bt2):
    # MS_MLP_Expert with T=1 per dispatched token (token-level routing);
    # single-step LIF from v0=0: v = x/tau, spike = H(v - 1)
    identity = tok
    s1 = heaviside(tok / tau - 1.0)
    h = bn(conv1x1(s1, W1, b1), g1, bt1)
    x2 = identity + h  # residual (in_features == hidden_features)
    s2 = heaviside(x2 / tau - 1.0)
    o = bn(conv1x1(s2, W2, b2), g2, bt2)
    return o + x2

def setup_inputs(seed: int = 0):
    key = jax.random.key(seed)
    ks = jax.random.split(key, 4)
    x = jax.random.normal(ks[0], (T, B, C, H, W), dtype=jnp.float32)
    Wr = jax.random.normal(ks[1], (E, C), dtype=jnp.float32) * 0.05
    br = jnp.zeros((E,), jnp.float32)
    gr = jnp.ones((E,), jnp.float32)
    betar = jnp.zeros((E,), jnp.float32)
    W1 = jax.random.normal(ks[2], (E, HID, C), dtype=jnp.float32) * 0.05
    b1 = jnp.zeros((E, HID), jnp.float32)
    g1 = jnp.ones((E, HID), jnp.float32)
    bt1 = jnp.zeros((E, HID), jnp.float32)
    W2 = jax.random.normal(ks[3], (E, OUT, HID), dtype=jnp.float32) * 0.05
    b2 = jnp.zeros((E, OUT), jnp.float32)
    g2 = jnp.ones((E, OUT), jnp.float32)
    bt2 = jnp.zeros((E, OUT), jnp.float32)
    return {"x": x, "Wr": Wr, "br": br, "gr": gr, "betar": betar, "W1": W1, "b1": b1, "g1": g1, "bt1": bt1, "W2": W2, "b2": b2, "g2": g2, "bt2": bt2}

def reference(x, Wr, br, gr, betar, W1, b1, g1, bt1, W2, b2, g2, bt2):
    taus = jnp.linspace(1.5, 4.0, E)  # tau_distribution='linear'
    # SpikeRouter
    s = lif_multistep(x, 2.0)
    rl = bn(conv1x1(s.reshape(T * B, C, H, W), Wr, br), gr, betar)
    logits = rl.mean(axis=(-2, -1))  # (T*B, E)
    probs = jax.nn.softmax(logits, axis=-1)
    wk, idx = jax.lax.top_k(probs, K)
    wk = wk / jnp.sum(wk, axis=-1, keepdims=True)
    # dispatch tokens to experts, weighted combine
    tokens = x.reshape(T * B, C, H, W)
    eo = jax.vmap(expert_apply, in_axes=(None, 0, 0, 0, 0, 0, 0, 0, 0, 0))(
        tokens, taus, W1, b1, g1, bt1, W2, b2, g2, bt2)  # (E, TB, OUT, H, W)
    sel = eo[idx.T, jnp.arange(T * B)[None, :]]  # (K, TB, OUT, H, W)
    out_tok = jnp.sum(wk.T[:, :, None, None, None] * sel, axis=0)
    return out_tok.reshape(T, B, OUT, H, W)

if __name__ == "__main__":
    import jax
    _d = setup_inputs()
    print(jax.jit(kernel)(*tuple(_d.values())))

</pallas_src>

<mosaic_0001>
#map = affine_map<(d0, d1) -> (0)>
#map1 = affine_map<(d0, d1) -> (0, 0, 0)>
module attributes {stable_mosaic.version = 14 : i64} {
  func.func @_sc_router(%arg0: i32, %arg1: i32, %arg2: memref<512xf32, #tpu.memory_space<hbm>>, %arg3: memref<2x4x16xi32, #tpu.memory_space<hbm>>, %arg4: memref<2x4x16xf32, #tpu.memory_space<hbm>>, %arg5: memref<512xf32, #tpu.memory_space<vmem>>, %arg6: memref<2x4x16xi32, #tpu.memory_space<vmem>>, %arg7: memref<2x4x16xf32, #tpu.memory_space<vmem>>) attributes {dimension_semantics = [#tpu.dimension_semantics<core_parallel>, #tpu.dimension_semantics<subcore_parallel>], iteration_bounds = array<i64: 2, 16>, scalar_prefetch = 0 : i64, scratch_operands = 3 : i64, tpu.core_type = #tpu.core_type<sc_vector_subcore>, window_params = [{transform_indices = #map}, {transform_indices = #map1}, {transform_indices = #map1}]} {
    %add3A = arith.addi %arg0, %arg1 : i32
    %eq3A = arith.constant 0 : i32
    %eq3A_0 = arith.cmpi eq, %add3A, %eq3A : i32
    %convert_element_type3A = arith.extui %eq3A_0 : i1 to i32
    %cond3A = arith.constant 0 : i32
    %cond3A_1 = arith.cmpi ne, %convert_element_type3A, %cond3A : i32
    scf.if %cond3A_1 {
      "tpu.region"() ({
        %run_scoped3A = tpu.sem_alloc : memref<!tpu.dma_semaphore, #tpu.memory_space<semaphore_mem>>
        tpu.enqueue_dma source(%arg2 : memref<512xf32, #tpu.memory_space<hbm>>) target(%arg5 : memref<512xf32, #tpu.memory_space<vmem>>) target_semaphore(%run_scoped3A : memref<!tpu.dma_semaphore, #tpu.memory_space<semaphore_mem>>)
        tpu.wait_dma2 semaphore(%run_scoped3A : memref<!tpu.dma_semaphore, #tpu.memory_space<semaphore_mem>>) src(%arg2 : memref<512xf32, #tpu.memory_space<hbm>>) dst(%arg5 : memref<512xf32, #tpu.memory_space<vmem>>)
        tpu.yield
      }) : () -> ()
      %broadcast_in_dim3A = arith.constant -1.000000e+30 : f32
      %broadcast_in_dim3A_2 = vector.broadcast %broadcast_in_dim3A : f32 to vector<16xf32>
      %broadcast_in_dim3A_3 = arith.constant -1.000000e+30 : f32
      %broadcast_in_dim3A_4 = vector.broadcast %broadcast_in_dim3A_3 : f32 to vector<16xf32>
      %broadcast_in_dim3A_5 = arith.constant 0 : i32
      %broadcast_in_dim3A_6 = vector.broadcast %broadcast_in_dim3A_5 : i32 to vector<16xi32>
      %broadcast_in_dim3A_7 = arith.constant 0 : i32
      %broadcast_in_dim3A_8 = vector.broadcast %broadcast_in_dim3A_7 : i32 to vector<16xi32>
      %get3A = arith.constant 0 : index
      %get3A_9 = tpu.vector_load %arg5[%get3A] {strides = array<i32>} : memref<512xf32, #tpu.memory_space<vmem>>, vector<16xf32>,
      %get3A_10 = vector.shape_cast %get3A_9 : vector<16xf32> to vector<16xf32>
      %broadcast_in_dim3A_11 = arith.constant 0 : i32
      %broadcast_in_dim3A_12 = vector.broadcast %broadcast_in_dim3A_11 : i32 to vector<16xi32>
      %gt3A = arith.cmpf ogt, %get3A_10, %broadcast_in_dim3A_2 : vector<16xf32>
      %gt3A_13 = arith.cmpf ogt, %get3A_10, %broadcast_in_dim3A_4 : vector<16xf32>
      %select_n3A = arith.select %gt3A_13, %broadcast_in_dim3A_12, %broadcast_in_dim3A_8 : vector<16xi1>, vector<16xi32>
      %select_n3A_14 = arith.select %gt3A, %broadcast_in_dim3A_6, %select_n3A : vector<16xi1>, vector<16xi32>
      %select_n3A_15 = arith.select %gt3A_13, %get3A_10, %broadcast_in_dim3A_4 : vector<16xi1>, vector<16xf32>
      %select_n3A_16 = arith.select %gt3A, %broadcast_in_dim3A_2, %select_n3A_15 : vector<16xi1>, vector<16xf32>
      %select_n3A_17 = arith.select %gt3A, %broadcast_in_dim3A_12, %broadcast_in_dim3A_6 : vector<16xi1>, vector<16xi32>
      %select_n3A_18 = arith.select %gt3A, %get3A_10, %broadcast_in_dim3A_2 : vector<16xi1>, vector<16xf32>
      %get3A_19 = arith.constant 16 : index
      %get3A_20 = tpu.vector_load %arg5[%get3A_19] {strides = array<i32>} : memref<512xf32, #tpu.memory_space<vmem>>, vector<16xf32>,
      %get3A_21 = vector.shape_cast %get3A_20 : vector<16xf32> to vector<16xf32>
      %broadcast_in_dim3A_22 = arith.constant 1 : i32
      %broadcast_in_dim3A_23 = vector.broadcast %broadcast_in_dim3A_22 : i32 to vector<16xi32>
      %gt3A_24 = arith.cmpf ogt, %get3A_21, %select_n3A_18 : vector<16xf32>
      %gt3A_25 = arith.cmpf ogt, %get3A_21, %select_n3A_16 : vector<16xf32>
      %select_n3A_26 = arith.select %gt3A_25, %broadcast_in_dim3A_23, %select_n3A_14 : vector<16xi1>, vector<16xi32>
      %select_n3A_27 = arith.select %gt3A_24, %select_n3A_17, %select_n3A_26 : vector<16xi1>, vector<16xi32>
      %select_n3A_28 = arith.select %gt3A_25, %get3A_21, %select_n3A_16 : vector<16xi1>, vector<16xf32>
      %select_n3A_29 = arith.select %gt3A_24, %select_n3A_18, %select_n3A_28 : vector<16xi1>, vector<16xf32>
      %select_n3A_30 = arith.select %gt3A_24, %broadcast_in_dim3A_23, %select_n3A_17 : vector<16xi1>, vector<16xi32>
      %select_n3A_31 = arith.select %gt3A_24, %get3A_21, %select_n3A_18 : vector<16xi1>, vector<16xf32>
      %get3A_32 = arith.constant 32 : index
      %get3A_33 = tpu.vector_load %arg5[%get3A_32] {strides = array<i32>} : memref<512xf32, #tpu.memory_space<vmem>>, vector<16xf32>,
      %get3A_34 = vector.shape_cast %get3A_33 : vector<16xf32> to vector<16xf32>
      %broadcast_in_dim3A_35 = arith.constant 2 : i32
      %broadcast_in_dim3A_36 = vector.broadcast %broadcast_in_dim3A_35 : i32 to vector<16xi32>
      %gt3A_37 = arith.cmpf ogt, %get3A_34, %select_n3A_31 : vector<16xf32>
      %gt3A_38 = arith.cmpf ogt, %get3A_34, %select_n3A_29 : vector<16xf32>
      %select_n3A_39 = arith.select %gt3A_38, %broadcast_in_dim3A_36, %select_n3A_27 : vector<16xi1>, vector<16xi32>
      %select_n3A_40 = arith.select %gt3A_37, %select_n3A_30, %select_n3A_39 : vector<16xi1>, vector<16xi32>
      %select_n3A_41 = arith.select %gt3A_38, %get3A_34, %select_n3A_29 : vector<16xi1>, vector<16xf32>
      %select_n3A_42 = arith.select %gt3A_37, %select_n3A_31, %select_n3A_41 : vector<16xi1>, vector<16xf32>
      %select_n3A_43 = arith.select %gt3A_37, %broadcast_in_dim3A_36, %select_n3A_30 : vector<16xi1>, vector<16xi32>
      %select_n3A_44 = arith.select %gt3A_37, %get3A_34, %select_n3A_31 : vector<16xi1>, vector<16xf32>
      %get3A_45 = arith.constant 48 : index
      %get3A_46 = tpu.vector_load %arg5[%get3A_45] {strides = array<i32>} : memref<512xf32, #tpu.memory_space<vmem>>, vector<16xf32>,
      %get3A_47 = vector.shape_cast %get3A_46 : vector<16xf32> to vector<16xf32>
      %broadcast_in_dim3A_48 = arith.constant 3 : i32
      %broadcast_in_dim3A_49 = vector.broadcast %broadcast_in_dim3A_48 : i32 to vector<16xi32>
      %gt3A_50 = arith.cmpf ogt, %get3A_47, %select_n3A_44 : vector<16xf32>
      %gt3A_51 = arith.cmpf ogt, %get3A_47, %select_n3A_42 : vector<16xf32>
      %select_n3A_52 = arith.select %gt3A_51, %broadcast_in_dim3A_49, %select_n3A_40 : vector<16xi1>, vector<16xi32>
      %select_n3A_53 = arith.select %gt3A_50, %select_n3A_43, %select_n3A_52 : vector<16xi1>, vector<16xi32>
      %select_n3A_54 = arith.select %gt3A_51, %get3A_47, %select_n3A_42 : vector<16xi1>, vector<16xf32>
      %select_n3A_55 = arith.select %gt3A_50, %select_n3A_44, %select_n3A_54 : vector<16xi1>, vector<16xf32>
      %select_n3A_56 = arith.select %gt3A_50, %broadcast_in_dim3A_49, %select_n3A_43 : vector<16xi1>, vector<16xi32>
      %select_n3A_57 = arith.select %gt3A_50, %get3A_47, %select_n3A_44 : vector<16xi1>, vector<16xf32>
      %get3A_58 = arith.constant 64 : index
      %get3A_59 = tpu.vector_load %arg5[%get3A_58] {strides = array<i32>} : memref<512xf32, #tpu.memory_space<vmem>>, vector<16xf32>,
      %get3A_60 = vector.shape_cast %get3A_59 : vector<16xf32> to vector<16xf32>
      %broadcast_in_dim3A_61 = arith.constant 4 : i32
      %broadcast_in_dim3A_62 = vector.broadcast %broadcast_in_dim3A_61 : i32 to vector<16xi32>
      %gt3A_63 = arith.cmpf ogt, %get3A_60, %select_n3A_57 : vector<16xf32>
      %gt3A_64 = arith.cmpf ogt, %get3A_60, %select_n3A_55 : vector<16xf32>
      %select_n3A_65 = arith.select %gt3A_64, %broadcast_in_dim3A_62, %select_n3A_53 : vector<16xi1>, vector<16xi32>
      %select_n3A_66 = arith.select %gt3A_63, %select_n3A_56, %select_n3A_65 : vector<16xi1>, vector<16xi32>
      %select_n3A_67 = arith.select %gt3A_64, %get3A_60, %select_n3A_55 : vector<16xi1>, vector<16xf32>
      %select_n3A_68 = arith.select %gt3A_63, %select_n3A_57, %select_n3A_67 : vector<16xi1>, vector<16xf32>
      %select_n3A_69 = arith.select %gt3A_63, %broadcast_in_dim3A_62, %select_n3A_56 : vector<16xi1>, vector<16xi32>
      %select_n3A_70 = arith.select %gt3A_63, %get3A_60, %select_n3A_57 : vector<16xi1>, vector<16xf32>
      %get3A_71 = arith.constant 80 : index
      %get3A_72 = tpu.vector_load %arg5[%get3A_71] {strides = array<i32>} : memref<512xf32, #tpu.memory_space<vmem>>, vector<16xf32>,
      %get3A_73 = vector.shape_cast %get3A_72 : vector<16xf32> to vector<16xf32>
      %broadcast_in_dim3A_74 = arith.constant 5 : i32
      %broadcast_in_dim3A_75 = vector.broadcast %broadcast_in_dim3A_74 : i32 to vector<16xi32>
      %gt3A_76 = arith.cmpf ogt, %get3A_73, %select_n3A_70 : vector<16xf32>
      %gt3A_77 = arith.cmpf ogt, %get3A_73, %select_n3A_68 : vector<16xf32>
      %select_n3A_78 = arith.select %gt3A_77, %broadcast_in_dim3A_75, %select_n3A_66 : vector<16xi1>, vector<16xi32>
      %select_n3A_79 = arith.select %gt3A_76, %select_n3A_69, %select_n3A_78 : vector<16xi1>, vector<16xi32>
      %select_n3A_80 = arith.select %gt3A_77, %get3A_73, %select_n3A_68 : vector<16xi1>, vector<16xf32>
      %select_n3A_81 = arith.select %gt3A_76, %select_n3A_70, %select_n3A_80 : vector<16xi1>, vector<16xf32>
      %select_n3A_82 = arith.select %gt3A_76, %broadcast_in_dim3A_75, %select_n3A_69 : vector<16xi1>, vector<16xi32>
      %select_n3A_83 = arith.select %gt3A_76, %get3A_73, %select_n3A_70 : vector<16xi1>, vector<16xf32>
      %get3A_84 = arith.constant 96 : index
      %get3A_85 = tpu.vector_load %arg5[%get3A_84] {strides = array<i32>} : memref<512xf32, #tpu.memory_space<vmem>>, vector<16xf32>,
      %get3A_86 = vector.shape_cast %get3A_85 : vector<16xf32> to vector<16xf32>
      %broadcast_in_dim3A_87 = arith.constant 6 : i32
      %broadcast_in_dim3A_88 = vector.broadcast %broadcast_in_dim3A_87 : i32 to vector<16xi32>
      %gt3A_89 = arith.cmpf ogt, %get3A_86, %select_n3A_83 : vector<16xf32>
      %gt3A_90 = arith.cmpf ogt, %get3A_86, %select_n3A_81 : vector<16xf32>
      %select_n3A_91 = arith.select %gt3A_90, %broadcast_in_dim3A_88, %select_n3A_79 : vector<16xi1>, vector<16xi32>
      %select_n3A_92 = arith.select %gt3A_89, %select_n3A_82, %select_n3A_91 : vector<16xi1>, vector<16xi32>
      %select_n3A_93 = arith.select %gt3A_90, %get3A_86, %select_n3A_81 : vector<16xi1>, vector<16xf32>
      %select_n3A_94 = arith.select %gt3A_89, %select_n3A_83, %select_n3A_93 : vector<16xi1>, vector<16xf32>
      %select_n3A_95 = arith.select %gt3A_89, %broadcast_in_dim3A_88, %select_n3A_82 : vector<16xi1>, vector<16xi32>
      %select_n3A_96 = arith.select %gt3A_89, %get3A_86, %select_n3A_83 : vector<16xi1>, vector<16xf32>
      %get3A_97 = arith.constant 112 : index
      %get3A_98 = tpu.vector_load %arg5[%get3A_97] {strides = array<i32>} : memref<512xf32, #tpu.memory_space<vmem>>, vector<16xf32>,
      %get3A_99 = vector.shape_cast %get3A_98 : vector<16xf32> to vector<16xf32>
      %broadcast_in_dim3A_100 = arith.constant 7 : i32
      %broadcast_in_dim3A_101 = vector.broadcast %broadcast_in_dim3A_100 : i32 to vector<16xi32>
      %gt3A_102 = arith.cmpf ogt, %get3A_99, %select_n3A_96 : vector<16xf32>
      %gt3A_103 = arith.cmpf ogt, %get3A_99, %select_n3A_94 : vector<16xf32>
      %select_n3A_104 = arith.select %gt3A_103, %broadcast_in_dim3A_101, %select_n3A_92 : vector<16xi1>, vector<16xi32>
      %select_n3A_105 = arith.select %gt3A_102, %select_n3A_95, %select_n3A_104 : vector<16xi1>, vector<16xi32>
      %select_n3A_106 = arith.select %gt3A_103, %get3A_99, %select_n3A_94 : vector<16xi1>, vector<16xf32>
      %select_n3A_107 = arith.select %gt3A_102, %select_n3A_96, %select_n3A_106 : vector<16xi1>, vector<16xf32>
      %select_n3A_108 = arith.select %gt3A_102, %broadcast_in_dim3A_101, %select_n3A_95 : vector<16xi1>, vector<16xi32>
      %select_n3A_109 = arith.select %gt3A_102, %get3A_99, %select_n3A_96 : vector<16xi1>, vector<16xf32>
      %sub3A = arith.subf %select_n3A_107, %select_n3A_109 : vector<16xf32>
      %exp3A = math.exp %sub3A : vector<16xf32>
      %add3A_110 = arith.constant 1.000000e+00 : f32
      %add3A_111 = vector.broadcast %add3A_110 : f32 to vector<16xf32>
      %add3A_112 = arith.addf %add3A_111, %exp3A : vector<16xf32>
      %div3A = arith.constant 1.000000e+00 : f32
      %div3A_113 = vector.broadcast %div3A : f32 to vector<16xf32>
      %div3A_114 = arith.divf %div3A_113, %add3A_112 : vector<16xf32>
      %swap3A = arith.constant 0 : i32
      %swap3A_115 = arith.constant 0 : i32
      %swap3A_116 = arith.index_cast %swap3A : i32 to index
      %swap3A_117 = arith.index_cast %swap3A_115 : i32 to index
      %swap3A_118 = arith.constant 0 : index
      %swap3A_119 = tpu.vector_load %arg6[%swap3A_116, %swap3A_117, %swap3A_118] {strides = array<i32>} : memref<2x4x16xi32, #tpu.memory_space<vmem>>, vector<1x1x16xi32>,
      %swap3A_120 = vector.shape_cast %swap3A_119 : vector<1x1x16xi32> to vector<16xi32>
      %swap3A_121 = vector.shape_cast %select_n3A_108 : vector<16xi32> to vector<1x1x16xi32>
      tpu.vector_store %arg6[%swap3A_116, %swap3A_117, %swap3A_118], %swap3A_121 {strides = array<i32>} : memref<2x4x16xi32, #tpu.memory_space<vmem>>, vector<1x1x16xi32>,
      %swap3A_122 = arith.constant 1 : i32
      %swap3A_123 = arith.constant 0 : i32
      %swap3A_124 = arith.index_cast %swap3A_122 : i32 to index
      %swap3A_125 = arith.index_cast %swap3A_123 : i32 to index
      %swap3A_126 = arith.constant 0 : index
      %swap3A_127 = tpu.vector_load %arg6[%swap3A_124, %swap3A_125, %swap3A_126] {strides = array<i32>} : memref<2x4x16xi32, #tpu.memory_space<vmem>>, vector<1x1x16xi32>,
      %swap3A_128 = vector.shape_cast %swap3A_127 : vector<1x1x16xi32> to vector<16xi32>
      %swap3A_129 = vector.shape_cast %select_n3A_105 : vector<16xi32> to vector<1x1x16xi32>
      tpu.vector_store %arg6[%swap3A_124, %swap3A_125, %swap3A_126], %swap3A_129 {strides = array<i32>} : memref<2x4x16xi32, #tpu.memory_space<vmem>>, vector<1x1x16xi32>,
      %swap3A_130 = arith.constant 0 : i32
      %swap3A_131 = arith.constant 0 : i32
      %swap3A_132 = arith.index_cast %swap3A_130 : i32 to index
      %swap3A_133 = arith.index_cast %swap3A_131 : i32 to index
      %swap3A_134 = arith.constant 0 : index
      %swap3A_135 = tpu.vector_load %arg7[%swap3A_132, %swap3A_133, %swap3A_134] {strides = array<i32>} : memref<2x4x16xf32, #tpu.memory_space<vmem>>, vector<1x1x16xf32>,
      %swap3A_136 = vector.shape_cast %swap3A_135 : vector<1x1x16xf32> to vector<16xf32>
      %swap3A_137 = vector.shape_cast %div3A_114 : vector<16xf32> to vector<1x1x16xf32>
      tpu.vector_store %arg7[%swap3A_132, %swap3A_133, %swap3A_134], %swap3A_137 {strides = array<i32>} : memref<2x4x16xf32, #tpu.memory_space<vmem>>, vector<1x1x16xf32>,
      %sub3A_138 = arith.constant 1.000000e+00 : f32
      %sub3A_139 = vector.broadcast %sub3A_138 : f32 to vector<16xf32>
      %sub3A_140 = arith.subf %sub3A_139, %div3A_114 : vector<16xf32>
      %swap3A_141 = arith.constant 1 : i32
      %swap3A_142 = arith.constant 0 : i32
      %swap3A_143 = arith.index_cast %swap3A_141 : i32 to index
      %swap3A_144 = arith.index_cast %swap3A_142 : i32 to index
      %swap3A_145 = arith.constant 0 : index
      %swap3A_146 = tpu.vector_load %arg7[%swap3A_143, %swap3A_144, %swap3A_145] {strides = array<i32>} : memref<2x4x16xf32, #tpu.memory_space<vmem>>, vector<1x1x16xf32>,
      %swap3A_147 = vector.shape_cast %swap3A_146 : vector<1x1x16xf32> to vector<16xf32>
      %swap3A_148 = vector.shape_cast %sub3A_140 : vector<16xf32> to vector<1x1x16xf32>
      tpu.vector_store %arg7[%swap3A_143, %swap3A_144, %swap3A_145], %swap3A_148 {strides = array<i32>} : memref<2x4x16xf32, #tpu.memory_space<vmem>>, vector<1x1x16xf32>,
      %broadcast_in_dim3A_149 = arith.constant -1.000000e+30 : f32
      %broadcast_in_dim3A_150 = vector.broadcast %broadcast_in_dim3A_149 : f32 to vector<16xf32>
      %broadcast_in_dim3A_151 = arith.constant -1.000000e+30 : f32
      %broadcast_in_dim3A_152 = vector.broadcast %broadcast_in_dim3A_151 : f32 to vector<16xf32>
      %broadcast_in_dim3A_153 = arith.constant 0 : i32
      %broadcast_in_dim3A_154 = vector.broadcast %broadcast_in_dim3A_153 : i32 to vector<16xi32>
      %broadcast_in_dim3A_155 = arith.constant 0 : i32
      %broadcast_in_dim3A_156 = vector.broadcast %broadcast_in_dim3A_155 : i32 to vector<16xi32>
      %get3A_157 = arith.constant 128 : index
      %get3A_158 = tpu.vector_load %arg5[%get3A_157] {strides = array<i32>} : memref<512xf32, #tpu.memory_space<vmem>>, vector<16xf32>,
      %get3A_159 = vector.shape_cast %get3A_158 : vector<16xf32> to vector<16xf32>
      %broadcast_in_dim3A_160 = arith.constant 0 : i32
      %broadcast_in_dim3A_161 = vector.broadcast %broadcast_in_dim3A_160 : i32 to vector<16xi32>
      %gt3A_162 = arith.cmpf ogt, %get3A_159, %broadcast_in_dim3A_150 : vector<16xf32>
      %gt3A_163 = arith.cmpf ogt, %get3A_159, %broadcast_in_dim3A_152 : vector<16xf32>
      %select_n3A_164 = arith.select %gt3A_163, %broadcast_in_dim3A_161, %broadcast_in_dim3A_156 : vector<16xi1>, vector<16xi32>
      %select_n3A_165 = arith.select %gt3A_162, %broadcast_in_dim3A_154, %select_n3A_164 : vector<16xi1>, vector<16xi32>
      %select_n3A_166 = arith.select %gt3A_163, %get3A_159, %broadcast_in_dim3A_152 : vector<16xi1>, vector<16xf32>
      %select_n3A_167 = arith.select %gt3A_162, %broadcast_in_dim3A_150, %select_n3A_166 : vector<16xi1>, vector<16xf32>
      %select_n3A_168 = arith.select %gt3A_162, %broadcast_in_dim3A_161, %broadcast_in_dim3A_154 : vector<16xi1>, vector<16xi32>
      %select_n3A_169 = arith.select %gt3A_162, %get3A_159, %broadcast_in_dim3A_150 : vector<16xi1>, vector<16xf32>
      %get3A_170 = arith.constant 144 : index
      %get3A_171 = tpu.vector_load %arg5[%get3A_170] {strides = array<i32>} : memref<512xf32, #tpu.memory_space<vmem>>, vector<16xf32>,
      %get3A_172 = vector.shape_cast %get3A_171 : vector<16xf32> to vector<16xf32>
      %broadcast_in_dim3A_173 = arith.constant 1 : i32
      %broadcast_in_dim3A_174 = vector.broadcast %broadcast_in_dim3A_173 : i32 to vector<16xi32>
      %gt3A_175 = arith.cmpf ogt, %get3A_172, %select_n3A_169 : vector<16xf32>
      %gt3A_176 = arith.cmpf ogt, %get3A_172, %select_n3A_167 : vector<16xf32>
      %select_n3A_177 = arith.select %gt3A_176, %broadcast_in_dim3A_174, %select_n3A_165 : vector<16xi1>, vector<16xi32>
      %select_n3A_178 = arith.select %gt3A_175, %select_n3A_168, %select_n3A_177 : vector<16xi1>, vector<16xi32>
      %select_n3A_179 = arith.select %gt3A_176, %get3A_172, %select_n3A_167 : vector<16xi1>, vector<16xf32>
      %select_n3A_180 = arith.select %gt3A_175, %select_n3A_169, %select_n3A_179 : vector<16xi1>, vector<16xf32>
      %select_n3A_181 = arith.select %gt3A_175, %broadcast_in_dim3A_174, %select_n3A_168 : vector<16xi1>, vector<16xi32>
      %select_n3A_182 = arith.select %gt3A_175, %get3A_172, %select_n3A_169 : vector<16xi1>, vector<16xf32>
      %get3A_183 = arith.constant 160 : index
      %get3A_184 = tpu.vector_load %arg5[%get3A_183] {strides = array<i32>} : memref<512xf32, #tpu.memory_space<vmem>>, vector<16xf32>,
      %get3A_185 = vector.shape_cast %get3A_184 : vector<16xf32> to vector<16xf32>
      %broadcast_in_dim3A_186 = arith.constant 2 : i32
      %broadcast_in_dim3A_187 = vector.broadcast %broadcast_in_dim3A_186 : i32 to vector<16xi32>
      %gt3A_188 = arith.cmpf ogt, %get3A_185, %select_n3A_182 : vector<16xf32>
      %gt3A_189 = arith.cmpf ogt, %get3A_185, %select_n3A_180 : vector<16xf32>
      %select_n3A_190 = arith.select %gt3A_189, %broadcast_in_dim3A_187, %select_n3A_178 : vector<16xi1>, vector<16xi32>
      %select_n3A_191 = arith.select %gt3A_188, %select_n3A_181, %select_n3A_190 : vector<16xi1>, vector<16xi32>
      %select_n3A_192 = arith.select %gt3A_189, %get3A_185, %select_n3A_180 : vector<16xi1>, vector<16xf32>
      %select_n3A_193 = arith.select %gt3A_188, %select_n3A_182, %select_n3A_192 : vector<16xi1>, vector<16xf32>
      %select_n3A_194 = arith.select %gt3A_188, %broadcast_in_dim3A_187, %select_n3A_181 : vector<16xi1>, vector<16xi32>
      %select_n3A_195 = arith.select %gt3A_188, %get3A_185, %select_n3A_182 : vector<16xi1>, vector<16xf32>
      %get3A_196 = arith.constant 176 : index
      %get3A_197 = tpu.vector_load %arg5[%get3A_196] {strides = array<i32>} : memref<512xf32, #tpu.memory_space<vmem>>, vector<16xf32>,
      %get3A_198 = vector.shape_cast %get3A_197 : vector<16xf32> to vector<16xf32>
      %broadcast_in_dim3A_199 = arith.constant 3 : i32
      %broadcast_in_dim3A_200 = vector.broadcast %broadcast_in_dim3A_199 : i32 to vector<16xi32>
      %gt3A_201 = arith.cmpf ogt, %get3A_198, %select_n3A_195 : vector<16xf32>
      %gt3A_202 = arith.cmpf ogt, %get3A_198, %select_n3A_193 : vector<16xf32>
      %select_n3A_203 = arith.select %gt3A_202, %broadcast_in_dim3A_200, %select_n3A_191 : vector<16xi1>, vector<16xi32>
      %select_n3A_204 = arith.select %gt3A_201, %select_n3A_194, %select_n3A_203 : vector<16xi1>, vector<16xi32>
      %select_n3A_205 = arith.select %gt3A_202, %get3A_198, %select_n3A_193 : vector<16xi1>, vector<16xf32>
      %select_n3A_206 = arith.select %gt3A_201, %select_n3A_195, %select_n3A_205 : vector<16xi1>, vector<16xf32>
      %select_n3A_207 = arith.select %gt3A_201, %broadcast_in_dim3A_200, %select_n3A_194 : vector<16xi1>, vector<16xi32>
      %select_n3A_208 = arith.select %gt3A_201, %get3A_198, %select_n3A_195 : vector<16xi1>, vector<16xf32>
      %get3A_209 = arith.constant 192 : index
      %get3A_210 = tpu.vector_load %arg5[%get3A_209] {strides = array<i32>} : memref<512xf32, #tpu.memory_space<vmem>>, vector<16xf32>,
      %get3A_211 = vector.shape_cast %get3A_210 : vector<16xf32> to vector<16xf32>
      %broadcast_in_dim3A_212 = arith.constant 4 : i32
      %broadcast_in_dim3A_213 = vector.broadcast %broadcast_in_dim3A_212 : i32 to vector<16xi32>
      %gt3A_214 = arith.cmpf ogt, %get3A_211, %select_n3A_208 : vector<16xf32>
      %gt3A_215 = arith.cmpf ogt, %get3A_211, %select_n3A_206 : vector<16xf32>
      %select_n3A_216 = arith.select %gt3A_215, %broadcast_in_dim3A_213, %select_n3A_204 : vector<16xi1>, vector<16xi32>
      %select_n3A_217 = arith.select %gt3A_214, %select_n3A_207, %select_n3A_216 : vector<16xi1>, vector<16xi32>
      %select_n3A_218 = arith.select %gt3A_215, %get3A_211, %select_n3A_206 : vector<16xi1>, vector<16xf32>
      %select_n3A_219 = arith.select %gt3A_214, %select_n3A_208, %select_n3A_218 : vector<16xi1>, vector<16xf32>
      %select_n3A_220 = arith.select %gt3A_214, %broadcast_in_dim3A_213, %select_n3A_207 : vector<16xi1>, vector<16xi32>
      %select_n3A_221 = arith.select %gt3A_214, %get3A_211, %select_n3A_208 : vector<16xi1>, vector<16xf32>
      %get3A_222 = arith.constant 208 : index
      %get3A_223 = tpu.vector_load %arg5[%get3A_222] {strides = array<i32>} : memref<512xf32, #tpu.memory_space<vmem>>, vector<16xf32>,
      %get3A_224 = vector.shape_cast %get3A_223 : vector<16xf32> to vector<16xf32>
      %broadcast_in_dim3A_225 = arith.constant 5 : i32
      %broadcast_in_dim3A_226 = vector.broadcast %broadcast_in_dim3A_225 : i32 to vector<16xi32>
      %gt3A_227 = arith.cmpf ogt, %get3A_224, %select_n3A_221 : vector<16xf32>
      %gt3A_228 = arith.cmpf ogt, %get3A_224, %select_n3A_219 : vector<16xf32>
      %select_n3A_229 = arith.select %gt3A_228, %broadcast_in_dim3A_226, %select_n3A_217 : vector<16xi1>, vector<16xi32>
      %select_n3A_230 = arith.select %gt3A_227, %select_n3A_220, %select_n3A_229 : vector<16xi1>, vector<16xi32>
      %select_n3A_231 = arith.select %gt3A_228, %get3A_224, %select_n3A_219 : vector<16xi1>, vector<16xf32>
      %select_n3A_232 = arith.select %gt3A_227, %select_n3A_221, %select_n3A_231 : vector<16xi1>, vector<16xf32>
      %select_n3A_233 = arith.select %gt3A_227, %broadcast_in_dim3A_226, %select_n3A_220 : vector<16xi1>, vector<16xi32>
      %select_n3A_234 = arith.select %gt3A_227, %get3A_224, %select_n3A_221 : vector<16xi1>, vector<16xf32>
      %get3A_235 = arith.constant 224 : index
      %get3A_236 = tpu.vector_load %arg5[%get3A_235] {strides = array<i32>} : memref<512xf32, #tpu.memory_space<vmem>>, vector<16xf32>,
      %get3A_237 = vector.shape_cast %get3A_236 : vector<16xf32> to vector<16xf32>
      %broadcast_in_dim3A_238 = arith.constant 6 : i32
      %broadcast_in_dim3A_239 = vector.broadcast %broadcast_in_dim3A_238 : i32 to vector<16xi32>
      %gt3A_240 = arith.cmpf ogt, %get3A_237, %select_n3A_234 : vector<16xf32>
      %gt3A_241 = arith.cmpf ogt, %get3A_237, %select_n3A_232 : vector<16xf32>
      %select_n3A_242 = arith.select %gt3A_241, %broadcast_in_dim3A_239, %select_n3A_230 : vector<16xi1>, vector<16xi32>
      %select_n3A_243 = arith.select %gt3A_240, %select_n3A_233, %select_n3A_242 : vector<16xi1>, vector<16xi32>
      %select_n3A_244 = arith.select %gt3A_241, %get3A_237, %select_n3A_232 : vector<16xi1>, vector<16xf32>
      %select_n3A_245 = arith.select %gt3A_240, %select_n3A_234, %select_n3A_244 : vector<16xi1>, vector<16xf32>
      %select_n3A_246 = arith.select %gt3A_240, %broadcast_in_dim3A_239, %select_n3A_233 : vector<16xi1>, vector<16xi32>
      %select_n3A_247 = arith.select %gt3A_240, %get3A_237, %select_n3A_234 : vector<16xi1>, vector<16xf32>
      %get3A_248 = arith.constant 240 : index
      %get3A_249 = tpu.vector_load %arg5[%get3A_248] {strides = array<i32>} : memref<512xf32, #tpu.memory_space<vmem>>, vector<16xf32>,
      %get3A_250 = vector.shape_cast %get3A_249 : vector<16xf32> to vector<16xf32>
      %broadcast_in_dim3A_251 = arith.constant 7 : i32
      %broadcast_in_dim3A_252 = vector.broadcast %broadcast_in_dim3A_251 : i32 to vector<16xi32>
      %gt3A_253 = arith.cmpf ogt, %get3A_250, %select_n3A_247 : vector<16xf32>
      %gt3A_254 = arith.cmpf ogt, %get3A_250, %select_n3A_245 : vector<16xf32>
      %select_n3A_255 = arith.select %gt3A_254, %broadcast_in_dim3A_252, %select_n3A_243 : vector<16xi1>, vector<16xi32>
      %select_n3A_256 = arith.select %gt3A_253, %select_n3A_246, %select_n3A_255 : vector<16xi1>, vector<16xi32>
      %select_n3A_257 = arith.select %gt3A_254, %get3A_250, %select_n3A_245 : vector<16xi1>, vector<16xf32>
      %select_n3A_258 = arith.select %gt3A_253, %select_n3A_247, %select_n3A_257 : vector<16xi1>, vector<16xf32>
      %select_n3A_259 = arith.select %gt3A_253, %broadcast_in_dim3A_252, %select_n3A_246 : vector<16xi1>, vector<16xi32>
      %select_n3A_260 = arith.select %gt3A_253, %get3A_250, %select_n3A_247 : vector<16xi1>, vector<16xf32>
      %sub3A_261 = arith.subf %select_n3A_258, %select_n3A_260 : vector<16xf32>
      %exp3A_262 = math.exp %sub3A_261 : vector<16xf32>
      %add3A_263 = arith.constant 1.000000e+00 : f32
      %add3A_264 = vector.broadcast %add3A_263 : f32 to vector<16xf32>
      %add3A_265 = arith.addf %add3A_264, %exp3A_262 : vector<16xf32>
      %div3A_266 = arith.constant 1.000000e+00 : f32
      %div3A_267 = vector.broadcast %div3A_266 : f32 to vector<16xf32>
      %div3A_268 = arith.divf %div3A_267, %add3A_265 : vector<16xf32>
      %swap3A_269 = arith.constant 0 : i32
      %swap3A_270 = arith.constant 1 : i32
      %swap3A_271 = arith.index_cast %swap3A_269 : i32 to index
      %swap3A_272 = arith.index_cast %swap3A_270 : i32 to index
      %swap3A_273 = arith.constant 0 : index
      %swap3A_274 = tpu.vector_load %arg6[%swap3A_271, %swap3A_272, %swap3A_273] {strides = array<i32>} : memref<2x4x16xi32, #tpu.memory_space<vmem>>, vector<1x1x16xi32>,
      %swap3A_275 = vector.shape_cast %swap3A_274 : vector<1x1x16xi32> to vector<16xi32>
      %swap3A_276 = vector.shape_cast %select_n3A_259 : vector<16xi32> to vector<1x1x16xi32>
      tpu.vector_store %arg6[%swap3A_271, %swap3A_272, %swap3A_273], %swap3A_276 {strides = array<i32>} : memref<2x4x16xi32, #tpu.memory_space<vmem>>, vector<1x1x16xi32>,
      %swap3A_277 = arith.constant 1 : i32
      %swap3A_278 = arith.constant 1 : i32
      %swap3A_279 = arith.index_cast %swap3A_277 : i32 to index
      %swap3A_280 = arith.index_cast %swap3A_278 : i32 to index
      %swap3A_281 = arith.constant 0 : index
      %swap3A_282 = tpu.vector_load %arg6[%swap3A_279, %swap3A_280, %swap3A_281] {strides = array<i32>} : memref<2x4x16xi32, #tpu.memory_space<vmem>>, vector<1x1x16xi32>,
      %swap3A_283 = vector.shape_cast %swap3A_282 : vector<1x1x16xi32> to vector<16xi32>
      %swap3A_284 = vector.shape_cast %select_n3A_256 : vector<16xi32> to vector<1x1x16xi32>
      tpu.vector_store %arg6[%swap3A_279, %swap3A_280, %swap3A_281], %swap3A_284 {strides = array<i32>} : memref<2x4x16xi32, #tpu.memory_space<vmem>>, vector<1x1x16xi32>,
      %swap3A_285 = arith.constant 0 : i32
      %swap3A_286 = arith.constant 1 : i32
      %swap3A_287 = arith.index_cast %swap3A_285 : i32 to index
      %swap3A_288 = arith.index_cast %swap3A_286 : i32 to index
      %swap3A_289 = arith.constant 0 : index
      %swap3A_290 = tpu.vector_load %arg7[%swap3A_287, %swap3A_288, %swap3A_289] {strides = array<i32>} : memref<2x4x16xf32, #tpu.memory_space<vmem>>, vector<1x1x16xf32>,
      %swap3A_291 = vector.shape_cast %swap3A_290 : vector<1x1x16xf32> to vector<16xf32>
      %swap3A_292 = vector.shape_cast %div3A_268 : vector<16xf32> to vector<1x1x16xf32>
      tpu.vector_store %arg7[%swap3A_287, %swap3A_288, %swap3A_289], %swap3A_292 {strides = array<i32>} : memref<2x4x16xf32, #tpu.memory_space<vmem>>, vector<1x1x16xf32>,
      %sub3A_293 = arith.constant 1.000000e+00 : f32
      %sub3A_294 = vector.broadcast %sub3A_293 : f32 to vector<16xf32>
      %sub3A_295 = arith.subf %sub3A_294, %div3A_268 : vector<16xf32>
      %swap3A_296 = arith.constant 1 : i32
      %swap3A_297 = arith.constant 1 : i32
      %swap3A_298 = arith.index_cast %swap3A_296 : i32 to index
      %swap3A_299 = arith.index_cast %swap3A_297 : i32 to index
      %swap3A_300 = arith.constant 0 : index
      %swap3A_301 = tpu.vector_load %arg7[%swap3A_298, %swap3A_299, %swap3A_300] {strides = array<i32>} : memref<2x4x16xf32, #tpu.memory_space<vmem>>, vector<1x1x16xf32>,
      %swap3A_302 = vector.shape_cast %swap3A_301 : vector<1x1x16xf32> to vector<16xf32>
      %swap3A_303 = vector.shape_cast %sub3A_295 : vector<16xf32> to vector<1x1x16xf32>
      tpu.vector_store %arg7[%swap3A_298, %swap3A_299, %swap3A_300], %swap3A_303 {strides = array<i32>} : memref<2x4x16xf32, #tpu.memory_space<vmem>>, vector<1x1x16xf32>,
      %broadcast_in_dim3A_304 = arith.constant -1.000000e+30 : f32
      %broadcast_in_dim3A_305 = vector.broadcast %broadcast_in_dim3A_304 : f32 to vector<16xf32>
      %broadcast_in_dim3A_306 = arith.constant -1.000000e+30 : f32
      %broadcast_in_dim3A_307 = vector.broadcast %broadcast_in_dim3A_306 : f32 to vector<16xf32>
      %broadcast_in_dim3A_308 = arith.constant 0 : i32
      %broadcast_in_dim3A_309 = vector.broadcast %broadcast_in_dim3A_308 : i32 to vector<16xi32>
      %broadcast_in_dim3A_310 = arith.constant 0 : i32
      %broadcast_in_dim3A_311 = vector.broadcast %broadcast_in_dim3A_310 : i32 to vector<16xi32>
      %get3A_312 = arith.constant 256 : index
      %get3A_313 = tpu.vector_load %arg5[%get3A_312] {strides = array<i32>} : memref<512xf32, #tpu.memory_space<vmem>>, vector<16xf32>,
      %get3A_314 = vector.shape_cast %get3A_313 : vector<16xf32> to vector<16xf32>
      %broadcast_in_dim3A_315 = arith.constant 0 : i32
      %broadcast_in_dim3A_316 = vector.broadcast %broadcast_in_dim3A_315 : i32 to vector<16xi32>
      %gt3A_317 = arith.cmpf ogt, %get3A_314, %broadcast_in_dim3A_305 : vector<16xf32>
      %gt3A_318 = arith.cmpf ogt, %get3A_314, %broadcast_in_dim3A_307 : vector<16xf32>
      %select_n3A_319 = arith.select %gt3A_318, %broadcast_in_dim3A_316, %broadcast_in_dim3A_311 : vector<16xi1>, vector<16xi32>
      %select_n3A_320 = arith.select %gt3A_317, %broadcast_in_dim3A_309, %select_n3A_319 : vector<16xi1>, vector<16xi32>
      %select_n3A_321 = arith.select %gt3A_318, %get3A_314, %broadcast_in_dim3A_307 : vector<16xi1>, vector<16xf32>
      %select_n3A_322 = arith.select %gt3A_317, %broadcast_in_dim3A_305, %select_n3A_321 : vector<16xi1>, vector<16xf32>
      %select_n3A_323 = arith.select %gt3A_317, %broadcast_in_dim3A_316, %broadcast_in_dim3A_309 : vector<16xi1>, vector<16xi32>
      %select_n3A_324 = arith.select %gt3A_317, %get3A_314, %broadcast_in_dim3A_305 : vector<16xi1>, vector<16xf32>
      %get3A_325 = arith.constant 272 : index
      %get3A_326 = tpu.vector_load %arg5[%get3A_325] {strides = array<i32>} : memref<512xf32, #tpu.memory_space<vmem>>, vector<16xf32>,
      %get3A_327 = vector.shape_cast %get3A_326 : vector<16xf32> to vector<16xf32>
      %broadcast_in_dim3A_328 = arith.constant 1 : i32
      %broadcast_in_dim3A_329 = vector.broadcast %broadcast_in_dim3A_328 : i32 to vector<16xi32>
      %gt3A_330 = arith.cmpf ogt, %get3A_327, %select_n3A_324 : vector<16xf32>
      %gt3A_331 = arith.cmpf ogt, %get3A_327, %select_n3A_322 : vector<16xf32>
      %select_n3A_332 = arith.select %gt3A_331, %broadcast_in_dim3A_329, %select_n3A_320 : vector<16xi1>, vector<16xi32>
      %select_n3A_333 = arith.select %gt3A_330, %select_n3A_323, %select_n3A_332 : vector<16xi1>, vector<16xi32>
      %select_n3A_334 = arith.select %gt3A_331, %get3A_327, %select_n3A_322 : vector<16xi1>, vector<16xf32>
      %select_n3A_335 = arith.select %gt3A_330, %select_n3A_324, %select_n3A_334 : vector<16xi1>, vector<16xf32>
      %select_n3A_336 = arith.select %gt3A_330, %broadcast_in_dim3A_329, %select_n3A_323 : vector<16xi1>, vector<16xi32>
      %select_n3A_337 = arith.select %gt3A_330, %get3A_327, %select_n3A_324 : vector<16xi1>, vector<16xf32>
      %get3A_338 = arith.constant 288 : index
      %get3A_339 = tpu.vector_load %arg5[%get3A_338] {strides = array<i32>} : memref<512xf32, #tpu.memory_space<vmem>>, vector<16xf32>,
      %get3A_340 = vector.shape_cast %get3A_339 : vector<16xf32> to vector<16xf32>
      %broadcast_in_dim3A_341 = arith.constant 2 : i32
      %broadcast_in_dim3A_342 = vector.broadcast %broadcast_in_dim3A_341 : i32 to vector<16xi32>
      %gt3A_343 = arith.cmpf ogt, %get3A_340, %select_n3A_337 : vector<16xf32>
      %gt3A_344 = arith.cmpf ogt, %get3A_340, %select_n3A_335 : vector<16xf32>
      %select_n3A_345 = arith.select %gt3A_344, %broadcast_in_dim3A_342, %select_n3A_333 : vector<16xi1>, vector<16xi32>
      %select_n3A_346 = arith.select %gt3A_343, %select_n3A_336, %select_n3A_345 : vector<16xi1>, vector<16xi32>
      %select_n3A_347 = arith.select %gt3A_344, %get3A_340, %select_n3A_335 : vector<16xi1>, vector<16xf32>
      %select_n3A_348 = arith.select %gt3A_343, %select_n3A_337, %select_n3A_347 : vector<16xi1>, vector<16xf32>
      %select_n3A_349 = arith.select %gt3A_343, %broadcast_in_dim3A_342, %select_n3A_336 : vector<16xi1>, vector<16xi32>
      %select_n3A_350 = arith.select %gt3A_343, %get3A_340, %select_n3A_337 : vector<16xi1>, vector<16xf32>
      %get3A_351 = arith.constant 304 : index
      %get3A_352 = tpu.vector_load %arg5[%get3A_351] {strides = array<i32>} : memref<512xf32, #tpu.memory_space<vmem>>, vector<16xf32>,
      %get3A_353 = vector.shape_cast %get3A_352 : vector<16xf32> to vector<16xf32>
      %broadcast_in_dim3A_354 = arith.constant 3 : i32
      %broadcast_in_dim3A_355 = vector.broadcast %broadcast_in_dim3A_354 : i32 to vector<16xi32>
      %gt3A_356 = arith.cmpf ogt, %get3A_353, %select_n3A_350 : vector<16xf32>
      %gt3A_357 = arith.cmpf ogt, %get3A_353, %select_n3A_348 : vector<16xf32>
      %select_n3A_358 = arith.select %gt3A_357, %broadcast_in_dim3A_355, %select_n3A_346 : vector<16xi1>, vector<16xi32>
      %select_n3A_359 = arith.select %gt3A_356, %select_n3A_349, %select_n3A_358 : vector<16xi1>, vector<16xi32>
      %select_n3A_360 = arith.select %gt3A_357, %get3A_353, %select_n3A_348 : vector<16xi1>, vector<16xf32>
      %select_n3A_361 = arith.select %gt3A_356, %select_n3A_350, %select_n3A_360 : vector<16xi1>, vector<16xf32>
      %select_n3A_362 = arith.select %gt3A_356, %broadcast_in_dim3A_355, %select_n3A_349 : vector<16xi1>, vector<16xi32>
      %select_n3A_363 = arith.select %gt3A_356, %get3A_353, %select_n3A_350 : vector<16xi1>, vector<16xf32>
      %get3A_364 = arith.constant 320 : index
      %get3A_365 = tpu.vector_load %arg5[%get3A_364] {strides = array<i32>} : memref<512xf32, #tpu.memory_space<vmem>>, vector<16xf32>,
      %get3A_366 = vector.shape_cast %get3A_365 : vector<16xf32> to vector<16xf32>
      %broadcast_in_dim3A_367 = arith.constant 4 : i32
      %broadcast_in_dim3A_368 = vector.broadcast %broadcast_in_dim3A_367 : i32 to vector<16xi32>
      %gt3A_369 = arith.cmpf ogt, %get3A_366, %select_n3A_363 : vector<16xf32>
      %gt3A_370 = arith.cmpf ogt, %get3A_366, %select_n3A_361 : vector<16xf32>
      %select_n3A_371 = arith.select %gt3A_370, %broadcast_in_dim3A_368, %select_n3A_359 : vector<16xi1>, vector<16xi32>
      %select_n3A_372 = arith.select %gt3A_369, %select_n3A_362, %select_n3A_371 : vector<16xi1>, vector<16xi32>
      %select_n3A_373 = arith.select %gt3A_370, %get3A_366, %select_n3A_361 : vector<16xi1>, vector<16xf32>
      %select_n3A_374 = arith.select %gt3A_369, %select_n3A_363, %select_n3A_373 : vector<16xi1>, vector<16xf32>
      %select_n3A_375 = arith.select %gt3A_369, %broadcast_in_dim3A_368, %select_n3A_362 : vector<16xi1>, vector<16xi32>
      %select_n3A_376 = arith.select %gt3A_369, %get3A_366, %select_n3A_363 : vector<16xi1>, vector<16xf32>
      %get3A_377 = arith.constant 336 : index
      %get3A_378 = tpu.vector_load %arg5[%get3A_377] {strides = array<i32>} : memref<512xf32, #tpu.memory_space<vmem>>, vector<16xf32>,
      %get3A_379 = vector.shape_cast %get3A_378 : vector<16xf32> to vector<16xf32>
      %broadcast_in_dim3A_380 = arith.constant 5 : i32
      %broadcast_in_dim3A_381 = vector.broadcast %broadcast_in_dim3A_380 : i32 to vector<16xi32>
      %gt3A_382 = arith.cmpf ogt, %get3A_379, %select_n3A_376 : vector<16xf32>
      %gt3A_383 = arith.cmpf ogt, %get3A_379, %select_n3A_374 : vector<16xf32>
      %select_n3A_384 = arith.select %gt3A_383, %broadcast_in_dim3A_381, %select_n3A_372 : vector<16xi1>, vector<16xi32>
      %select_n3A_385 = arith.select %gt3A_382, %select_n3A_375, %select_n3A_384 : vector<16xi1>, vector<16xi32>
      %select_n3A_386 = arith.select %gt3A_383, %get3A_379, %select_n3A_374 : vector<16xi1>, vector<16xf32>
      %select_n3A_387 = arith.select %gt3A_382, %select_n3A_376, %select_n3A_386 : vector<16xi1>, vector<16xf32>
      %select_n3A_388 = arith.select %gt3A_382, %broadcast_in_dim3A_381, %select_n3A_375 : vector<16xi1>, vector<16xi32>
      %select_n3A_389 = arith.select %gt3A_382, %get3A_379, %select_n3A_376 : vector<16xi1>, vector<16xf32>
      %get3A_390 = arith.constant 352 : index
      %get3A_391 = tpu.vector_load %arg5[%get3A_390] {strides = array<i32>} : memref<512xf32, #tpu.memory_space<vmem>>, vector<16xf32>,
      %get3A_392 = vector.shape_cast %get3A_391 : vector<16xf32> to vector<16xf32>
      %broadcast_in_dim3A_393 = arith.constant 6 : i32
      %broadcast_in_dim3A_394 = vector.broadcast %broadcast_in_dim3A_393 : i32 to vector<16xi32>
      %gt3A_395 = arith.cmpf ogt, %get3A_392, %select_n3A_389 : vector<16xf32>
      %gt3A_396 = arith.cmpf ogt, %get3A_392, %select_n3A_387 : vector<16xf32>
      %select_n3A_397 = arith.select %gt3A_396, %broadcast_in_dim3A_394, %select_n3A_385 : vector<16xi1>, vector<16xi32>
      %select_n3A_398 = arith.select %gt3A_395, %select_n3A_388, %select_n3A_397 : vector<16xi1>, vector<16xi32>
      %select_n3A_399 = arith.select %gt3A_396, %get3A_392, %select_n3A_387 : vector<16xi1>, vector<16xf32>
      %select_n3A_400 = arith.select %gt3A_395, %select_n3A_389, %select_n3A_399 : vector<16xi1>, vector<16xf32>
      %select_n3A_401 = arith.select %gt3A_395, %broadcast_in_dim3A_394, %select_n3A_388 : vector<16xi1>, vector<16xi32>
      %select_n3A_402 = arith.select %gt3A_395, %get3A_392, %select_n3A_389 : vector<16xi1>, vector<16xf32>
      %get3A_403 = arith.constant 368 : index
      %get3A_404 = tpu.vector_load %arg5[%get3A_403] {strides = array<i32>} : memref<512xf32, #tpu.memory_space<vmem>>, vector<16xf32>,
      %get3A_405 = vector.shape_cast %get3A_404 : vector<16xf32> to vector<16xf32>
      %broadcast_in_dim3A_406 = arith.constant 7 : i32
      %broadcast_in_dim3A_407 = vector.broadcast %broadcast_in_dim3A_406 : i32 to vector<16xi32>
      %gt3A_408 = arith.cmpf ogt, %get3A_405, %select_n3A_402 : vector<16xf32>
      %gt3A_409 = arith.cmpf ogt, %get3A_405, %select_n3A_400 : vector<16xf32>
      %select_n3A_410 = arith.select %gt3A_409, %broadcast_in_dim3A_407, %select_n3A_398 : vector<16xi1>, vector<16xi32>
      %select_n3A_411 = arith.select %gt3A_408, %select_n3A_401, %select_n3A_410 : vector<16xi1>, vector<16xi32>
      %select_n3A_412 = arith.select %gt3A_409, %get3A_405, %select_n3A_400 : vector<16xi1>, vector<16xf32>
      %select_n3A_413 = arith.select %gt3A_408, %select_n3A_402, %select_n3A_412 : vector<16xi1>, vector<16xf32>
      %select_n3A_414 = arith.select %gt3A_408, %broadcast_in_dim3A_407, %select_n3A_401 : vector<16xi1>, vector<16xi32>
      %select_n3A_415 = arith.select %gt3A_408, %get3A_405, %select_n3A_402 : vector<16xi1>, vector<16xf32>
      %sub3A_416 = arith.subf %select_n3A_413, %select_n3A_415 : vector<16xf32>
      %exp3A_417 = math.exp %sub3A_416 : vector<16xf32>
      %add3A_418 = arith.constant 1.000000e+00 : f32
      %add3A_419 = vector.broadcast %add3A_418 : f32 to vector<16xf32>
      %add3A_420 = arith.addf %add3A_419, %exp3A_417 : vector<16xf32>
      %div3A_421 = arith.constant 1.000000e+00 : f32
      %div3A_422 = vector.broadcast %div3A_421 : f32 to vector<16xf32>
      %div3A_423 = arith.divf %div3A_422, %add3A_420 : vector<16xf32>
      %swap3A_424 = arith.constant 0 : i32
      %swap3A_425 = arith.constant 2 : i32
      %swap3A_426 = arith.index_cast %swap3A_424 : i32 to index
      %swap3A_427 = arith.index_cast %swap3A_425 : i32 to index
      %swap3A_428 = arith.constant 0 : index
      %swap3A_429 = tpu.vector_load %arg6[%swap3A_426, %swap3A_427, %swap3A_428] {strides = array<i32>} : memref<2x4x16xi32, #tpu.memory_space<vmem>>, vector<1x1x16xi32>,
      %swap3A_430 = vector.shape_cast %swap3A_429 : vector<1x1x16xi32> to vector<16xi32>
      %swap3A_431 = vector.shape_cast %select_n3A_414 : vector<16xi32> to vector<1x1x16xi32>
      tpu.vector_store %arg6[%swap3A_426, %swap3A_427, %swap3A_428], %swap3A_431 {strides = array<i32>} : memref<2x4x16xi32, #tpu.memory_space<vmem>>, vector<1x1x16xi32>,
      %swap3A_432 = arith.constant 1 : i32
      %swap3A_433 = arith.constant 2 : i32
      %swap3A_434 = arith.index_cast %swap3A_432 : i32 to index
      %swap3A_435 = arith.index_cast %swap3A_433 : i32 to index
      %swap3A_436 = arith.constant 0 : index
      %swap3A_437 = tpu.vector_load %arg6[%swap3A_434, %swap3A_435, %swap3A_436] {strides = array<i32>} : memref<2x4x16xi32, #tpu.memory_space<vmem>>, vector<1x1x16xi32>,
      %swap3A_438 = vector.shape_cast %swap3A_437 : vector<1x1x16xi32> to vector<16xi32>
      %swap3A_439 = vector.shape_cast %select_n3A_411 : vector<16xi32> to vector<1x1x16xi32>
      tpu.vector_store %arg6[%swap3A_434, %swap3A_435, %swap3A_436], %swap3A_439 {strides = array<i32>} : memref<2x4x16xi32, #tpu.memory_space<vmem>>, vector<1x1x16xi32>,
      %swap3A_440 = arith.constant 0 : i32
      %swap3A_441 = arith.constant 2 : i32
      %swap3A_442 = arith.index_cast %swap3A_440 : i32 to index
      %swap3A_443 = arith.index_cast %swap3A_441 : i32 to index
      %swap3A_444 = arith.constant 0 : index
      %swap3A_445 = tpu.vector_load %arg7[%swap3A_442, %swap3A_443, %swap3A_444] {strides = array<i32>} : memref<2x4x16xf32, #tpu.memory_space<vmem>>, vector<1x1x16xf32>,
      %swap3A_446 = vector.shape_cast %swap3A_445 : vector<1x1x16xf32> to vector<16xf32>
      %swap3A_447 = vector.shape_cast %div3A_423 : vector<16xf32> to vector<1x1x16xf32>
      tpu.vector_store %arg7[%swap3A_442, %swap3A_443, %swap3A_444], %swap3A_447 {strides = array<i32>} : memref<2x4x16xf32, #tpu.memory_space<vmem>>, vector<1x1x16xf32>,
      %sub3A_448 = arith.constant 1.000000e+00 : f32
      %sub3A_449 = vector.broadcast %sub3A_448 : f32 to vector<16xf32>
      %sub3A_450 = arith.subf %sub3A_449, %div3A_423 : vector<16xf32>
      %swap3A_451 = arith.constant 1 : i32
      %swap3A_452 = arith.constant 2 : i32
      %swap3A_453 = arith.index_cast %swap3A_451 : i32 to index
      %swap3A_454 = arith.index_cast %swap3A_452 : i32 to index
      %swap3A_455 = arith.constant 0 : index
      %swap3A_456 = tpu.vector_load %arg7[%swap3A_453, %swap3A_454, %swap3A_455] {strides = array<i32>} : memref<2x4x16xf32, #tpu.memory_space<vmem>>, vector<1x1x16xf32>,
      %swap3A_457 = vector.shape_cast %swap3A_456 : vector<1x1x16xf32> to vector<16xf32>
      %swap3A_458 = vector.shape_cast %sub3A_450 : vector<16xf32> to vector<1x1x16xf32>
      tpu.vector_store %arg7[%swap3A_453, %swap3A_454, %swap3A_455], %swap3A_458 {strides = array<i32>} : memref<2x4x16xf32, #tpu.memory_space<vmem>>, vector<1x1x16xf32>,
      %broadcast_in_dim3A_459 = arith.constant -1.000000e+30 : f32
      %broadcast_in_dim3A_460 = vector.broadcast %broadcast_in_dim3A_459 : f32 to vector<16xf32>
      %broadcast_in_dim3A_461 = arith.constant -1.000000e+30 : f32
      %broadcast_in_dim3A_462 = vector.broadcast %broadcast_in_dim3A_461 : f32 to vector<16xf32>
      %broadcast_in_dim3A_463 = arith.constant 0 : i32
      %broadcast_in_dim3A_464 = vector.broadcast %broadcast_in_dim3A_463 : i32 to vector<16xi32>
      %broadcast_in_dim3A_465 = arith.constant 0 : i32
      %broadcast_in_dim3A_466 = vector.broadcast %broadcast_in_dim3A_465 : i32 to vector<16xi32>
      %get3A_467 = arith.constant 384 : index
      %get3A_468 = tpu.vector_load %arg5[%get3A_467] {strides = array<i32>} : memref<512xf32, #tpu.memory_space<vmem>>, vector<16xf32>,
      %get3A_469 = vector.shape_cast %get3A_468 : vector<16xf32> to vector<16xf32>
      %broadcast_in_dim3A_470 = arith.constant 0 : i32
      %broadcast_in_dim3A_471 = vector.broadcast %broadcast_in_dim3A_470 : i32 to vector<16xi32>
      %gt3A_472 = arith.cmpf ogt, %get3A_469, %broadcast_in_dim3A_460 : vector<16xf32>
      %gt3A_473 = arith.cmpf ogt, %get3A_469, %broadcast_in_dim3A_462 : vector<16xf32>
      %select_n3A_474 = arith.select %gt3A_473, %broadcast_in_dim3A_471, %broadcast_in_dim3A_466 : vector<16xi1>, vector<16xi32>
      %select_n3A_475 = arith.select %gt3A_472, %broadcast_in_dim3A_464, %select_n3A_474 : vector<16xi1>, vector<16xi32>
      %select_n3A_476 = arith.select %gt3A_473, %get3A_469, %broadcast_in_dim3A_462 : vector<16xi1>, vector<16xf32>
      %select_n3A_477 = arith.select %gt3A_472, %broadcast_in_dim3A_460, %select_n3A_476 : vector<16xi1>, vector<16xf32>
      %select_n3A_478 = arith.select %gt3A_472, %broadcast_in_dim3A_471, %broadcast_in_dim3A_464 : vector<16xi1>, vector<16xi32>
      %select_n3A_479 = arith.select %gt3A_472, %get3A_469, %broadcast_in_dim3A_460 : vector<16xi1>, vector<16xf32>
      %get3A_480 = arith.constant 400 : index
      %get3A_481 = tpu.vector_load %arg5[%get3A_480] {strides = array<i32>} : memref<512xf32, #tpu.memory_space<vmem>>, vector<16xf32>,
      %get3A_482 = vector.shape_cast %get3A_481 : vector<16xf32> to vector<16xf32>
      %broadcast_in_dim3A_483 = arith.constant 1 : i32
      %broadcast_in_dim3A_484 = vector.broadcast %broadcast_in_dim3A_483 : i32 to vector<16xi32>
      %gt3A_485 = arith.cmpf ogt, %get3A_482, %select_n3A_479 : vector<16xf32>
      %gt3A_486 = arith.cmpf ogt, %get3A_482, %select_n3A_477 : vector<16xf32>
      %select_n3A_487 = arith.select %gt3A_486, %broadcast_in_dim3A_484, %select_n3A_475 : vector<16xi1>, vector<16xi32>
      %select_n3A_488 = arith.select %gt3A_485, %select_n3A_478, %select_n3A_487 : vector<16xi1>, vector<16xi32>
      %select_n3A_489 = arith.select %gt3A_486, %get3A_482, %select_n3A_477 : vector<16xi1>, vector<16xf32>
      %select_n3A_490 = arith.select %gt3A_485, %select_n3A_479, %select_n3A_489 : vector<16xi1>, vector<16xf32>
      %select_n3A_491 = arith.select %gt3A_485, %broadcast_in_dim3A_484, %select_n3A_478 : vector<16xi1>, vector<16xi32>
      %select_n3A_492 = arith.select %gt3A_485, %get3A_482, %select_n3A_479 : vector<16xi1>, vector<16xf32>
      %get3A_493 = arith.constant 416 : index
      %get3A_494 = tpu.vector_load %arg5[%get3A_493] {strides = array<i32>} : memref<512xf32, #tpu.memory_space<vmem>>, vector<16xf32>,
      %get3A_495 = vector.shape_cast %get3A_494 : vector<16xf32> to vector<16xf32>
      %broadcast_in_dim3A_496 = arith.constant 2 : i32
      %broadcast_in_dim3A_497 = vector.broadcast %broadcast_in_dim3A_496 : i32 to vector<16xi32>
      %gt3A_498 = arith.cmpf ogt, %get3A_495, %select_n3A_492 : vector<16xf32>
      %gt3A_499 = arith.cmpf ogt, %get3A_495, %select_n3A_490 : vector<16xf32>
      %select_n3A_500 = arith.select %gt3A_499, %broadcast_in_dim3A_497, %select_n3A_488 : vector<16xi1>, vector<16xi32>
      %select_n3A_501 = arith.select %gt3A_498, %select_n3A_491, %select_n3A_500 : vector<16xi1>, vector<16xi32>
      %select_n3A_502 = arith.select %gt3A_499, %get3A_495, %select_n3A_490 : vector<16xi1>, vector<16xf32>
      %select_n3A_503 = arith.select %gt3A_498, %select_n3A_492, %select_n3A_502 : vector<16xi1>, vector<16xf32>
      %select_n3A_504 = arith.select %gt3A_498, %broadcast_in_dim3A_497, %select_n3A_491 : vector<16xi1>, vector<16xi32>
      %select_n3A_505 = arith.select %gt3A_498, %get3A_495, %select_n3A_492 : vector<16xi1>, vector<16xf32>
      %get3A_506 = arith.constant 432 : index
      %get3A_507 = tpu.vector_load %arg5[%get3A_506] {strides = array<i32>} : memref<512xf32, #tpu.memory_space<vmem>>, vector<16xf32>,
      %get3A_508 = vector.shape_cast %get3A_507 : vector<16xf32> to vector<16xf32>
      %broadcast_in_dim3A_509 = arith.constant 3 : i32
      %broadcast_in_dim3A_510 = vector.broadcast %broadcast_in_dim3A_509 : i32 to vector<16xi32>
      %gt3A_511 = arith.cmpf ogt, %get3A_508, %select_n3A_505 : vector<16xf32>
      %gt3A_512 = arith.cmpf ogt, %get3A_508, %select_n3A_503 : vector<16xf32>
      %select_n3A_513 = arith.select %gt3A_512, %broadcast_in_dim3A_510, %select_n3A_501 : vector<16xi1>, vector<16xi32>
      %select_n3A_514 = arith.select %gt3A_511, %select_n3A_504, %select_n3A_513 : vector<16xi1>, vector<16xi32>
      %select_n3A_515 = arith.select %gt3A_512, %get3A_508, %select_n3A_503 : vector<16xi1>, vector<16xf32>
      %select_n3A_516 = arith.select %gt3A_511, %select_n3A_505, %select_n3A_515 : vector<16xi1>, vector<16xf32>
      %select_n3A_517 = arith.select %gt3A_511, %broadcast_in_dim3A_510, %select_n3A_504 : vector<16xi1>, vector<16xi32>
      %select_n3A_518 = arith.select %gt3A_511, %get3A_508, %select_n3A_505 : vector<16xi1>, vector<16xf32>
      %get3A_519 = arith.constant 448 : index
      %get3A_520 = tpu.vector_load %arg5[%get3A_519] {strides = array<i32>} : memref<512xf32, #tpu.memory_space<vmem>>, vector<16xf32>,
      %get3A_521 = vector.shape_cast %get3A_520 : vector<16xf32> to vector<16xf32>
      %broadcast_in_dim3A_522 = arith.constant 4 : i32
      %broadcast_in_dim3A_523 = vector.broadcast %broadcast_in_dim3A_522 : i32 to vector<16xi32>
      %gt3A_524 = arith.cmpf ogt, %get3A_521, %select_n3A_518 : vector<16xf32>
      %gt3A_525 = arith.cmpf ogt, %get3A_521, %select_n3A_516 : vector<16xf32>
      %select_n3A_526 = arith.select %gt3A_525, %broadcast_in_dim3A_523, %select_n3A_514 : vector<16xi1>, vector<16xi32>
      %select_n3A_527 = arith.select %gt3A_524, %select_n3A_517, %select_n3A_526 : vector<16xi1>, vector<16xi32>
      %select_n3A_528 = arith.select %gt3A_525, %get3A_521, %select_n3A_516 : vector<16xi1>, vector<16xf32>
      %select_n3A_529 = arith.select %gt3A_524, %select_n3A_518, %select_n3A_528 : vector<16xi1>, vector<16xf32>
      %select_n3A_530 = arith.select %gt3A_524, %broadcast_in_dim3A_523, %select_n3A_517 : vector<16xi1>, vector<16xi32>
      %select_n3A_531 = arith.select %gt3A_524, %get3A_521, %select_n3A_518 : vector<16xi1>, vector<16xf32>
      %get3A_532 = arith.constant 464 : index
      %get3A_533 = tpu.vector_load %arg5[%get3A_532] {strides = array<i32>} : memref<512xf32, #tpu.memory_space<vmem>>, vector<16xf32>,
      %get3A_534 = vector.shape_cast %get3A_533 : vector<16xf32> to vector<16xf32>
      %broadcast_in_dim3A_535 = arith.constant 5 : i32
      %broadcast_in_dim3A_536 = vector.broadcast %broadcast_in_dim3A_535 : i32 to vector<16xi32>
      %gt3A_537 = arith.cmpf ogt, %get3A_534, %select_n3A_531 : vector<16xf32>
      %gt3A_538 = arith.cmpf ogt, %get3A_534, %select_n3A_529 : vector<16xf32>
      %select_n3A_539 = arith.select %gt3A_538, %broadcast_in_dim3A_536, %select_n3A_527 : vector<16xi1>, vector<16xi32>
      %select_n3A_540 = arith.select %gt3A_537, %select_n3A_530, %select_n3A_539 : vector<16xi1>, vector<16xi32>
      %select_n3A_541 = arith.select %gt3A_538, %get3A_534, %select_n3A_529 : vector<16xi1>, vector<16xf32>
      %select_n3A_542 = arith.select %gt3A_537, %select_n3A_531, %select_n3A_541 : vector<16xi1>, vector<16xf32>
      %select_n3A_543 = arith.select %gt3A_537, %broadcast_in_dim3A_536, %select_n3A_530 : vector<16xi1>, vector<16xi32>
      %select_n3A_544 = arith.select %gt3A_537, %get3A_534, %select_n3A_531 : vector<16xi1>, vector<16xf32>
      %get3A_545 = arith.constant 480 : index
      %get3A_546 = tpu.vector_load %arg5[%get3A_545] {strides = array<i32>} : memref<512xf32, #tpu.memory_space<vmem>>, vector<16xf32>,
      %get3A_547 = vector.shape_cast %get3A_546 : vector<16xf32> to vector<16xf32>
      %broadcast_in_dim3A_548 = arith.constant 6 : i32
      %broadcast_in_dim3A_549 = vector.broadcast %broadcast_in_dim3A_548 : i32 to vector<16xi32>
      %gt3A_550 = arith.cmpf ogt, %get3A_547, %select_n3A_544 : vector<16xf32>
      %gt3A_551 = arith.cmpf ogt, %get3A_547, %select_n3A_542 : vector<16xf32>
      %select_n3A_552 = arith.select %gt3A_551, %broadcast_in_dim3A_549, %select_n3A_540 : vector<16xi1>, vector<16xi32>
      %select_n3A_553 = arith.select %gt3A_550, %select_n3A_543, %select_n3A_552 : vector<16xi1>, vector<16xi32>
      %select_n3A_554 = arith.select %gt3A_551, %get3A_547, %select_n3A_542 : vector<16xi1>, vector<16xf32>
      %select_n3A_555 = arith.select %gt3A_550, %select_n3A_544, %select_n3A_554 : vector<16xi1>, vector<16xf32>
      %select_n3A_556 = arith.select %gt3A_550, %broadcast_in_dim3A_549, %select_n3A_543 : vector<16xi1>, vector<16xi32>
      %select_n3A_557 = arith.select %gt3A_550, %get3A_547, %select_n3A_544 : vector<16xi1>, vector<16xf32>
      %get3A_558 = arith.constant 496 : index
      %get3A_559 = tpu.vector_load %arg5[%get3A_558] {strides = array<i32>} : memref<512xf32, #tpu.memory_space<vmem>>, vector<16xf32>,
      %get3A_560 = vector.shape_cast %get3A_559 : vector<16xf32> to vector<16xf32>
      %broadcast_in_dim3A_561 = arith.constant 7 : i32
      %broadcast_in_dim3A_562 = vector.broadcast %broadcast_in_dim3A_561 : i32 to vector<16xi32>
      %gt3A_563 = arith.cmpf ogt, %get3A_560, %select_n3A_557 : vector<16xf32>
      %gt3A_564 = arith.cmpf ogt, %get3A_560, %select_n3A_555 : vector<16xf32>
      %select_n3A_565 = arith.select %gt3A_564, %broadcast_in_dim3A_562, %select_n3A_553 : vector<16xi1>, vector<16xi32>
      %select_n3A_566 = arith.select %gt3A_563, %select_n3A_556, %select_n3A_565 : vector<16xi1>, vector<16xi32>
      %select_n3A_567 = arith.select %gt3A_564, %get3A_560, %select_n3A_555 : vector<16xi1>, vector<16xf32>
      %select_n3A_568 = arith.select %gt3A_563, %select_n3A_557, %select_n3A_567 : vector<16xi1>, vector<16xf32>
      %select_n3A_569 = arith.select %gt3A_563, %broadcast_in_dim3A_562, %select_n3A_556 : vector<16xi1>, vector<16xi32>
      %select_n3A_570 = arith.select %gt3A_563, %get3A_560, %select_n3A_557 : vector<16xi1>, vector<16xf32>
      %sub3A_571 = arith.subf %select_n3A_568, %select_n3A_570 : vector<16xf32>
      %exp3A_572 = math.exp %sub3A_571 : vector<16xf32>
      %add3A_573 = arith.constant 1.000000e+00 : f32
      %add3A_574 = vector.broadcast %add3A_573 : f32 to vector<16xf32>
      %add3A_575 = arith.addf %add3A_574, %exp3A_572 : vector<16xf32>
      %div3A_576 = arith.constant 1.000000e+00 : f32
      %div3A_577 = vector.broadcast %div3A_576 : f32 to vector<16xf32>
      %div3A_578 = arith.divf %div3A_577, %add3A_575 : vector<16xf32>
      %swap3A_579 = arith.constant 0 : i32
      %swap3A_580 = arith.constant 3 : i32
      %swap3A_581 = arith.index_cast %swap3A_579 : i32 to index
      %swap3A_582 = arith.index_cast %swap3A_580 : i32 to index
      %swap3A_583 = arith.constant 0 : index
      %swap3A_584 = tpu.vector_load %arg6[%swap3A_581, %swap3A_582, %swap3A_583] {strides = array<i32>} : memref<2x4x16xi32, #tpu.memory_space<vmem>>, vector<1x1x16xi32>,
      %swap3A_585 = vector.shape_cast %swap3A_584 : vector<1x1x16xi32> to vector<16xi32>
      %swap3A_586 = vector.shape_cast %select_n3A_569 : vector<16xi32> to vector<1x1x16xi32>
      tpu.vector_store %arg6[%swap3A_581, %swap3A_582, %swap3A_583], %swap3A_586 {strides = array<i32>} : memref<2x4x16xi32, #tpu.memory_space<vmem>>, vector<1x1x16xi32>,
      %swap3A_587 = arith.constant 1 : i32
      %swap3A_588 = arith.constant 3 : i32
      %swap3A_589 = arith.index_cast %swap3A_587 : i32 to index
      %swap3A_590 = arith.index_cast %swap3A_588 : i32 to index
      %swap3A_591 = arith.constant 0 : index
      %swap3A_592 = tpu.vector_load %arg6[%swap3A_589, %swap3A_590, %swap3A_591] {strides = array<i32>} : memref<2x4x16xi32, #tpu.memory_space<vmem>>, vector<1x1x16xi32>,
      %swap3A_593 = vector.shape_cast %swap3A_592 : vector<1x1x16xi32> to vector<16xi32>
      %swap3A_594 = vector.shape_cast %select_n3A_566 : vector<16xi32> to vector<1x1x16xi32>
      tpu.vector_store %arg6[%swap3A_589, %swap3A_590, %swap3A_591], %swap3A_594 {strides = array<i32>} : memref<2x4x16xi32, #tpu.memory_space<vmem>>, vector<1x1x16xi32>,
      %swap3A_595 = arith.constant 0 : i32
      %swap3A_596 = arith.constant 3 : i32
      %swap3A_597 = arith.index_cast %swap3A_595 : i32 to index
      %swap3A_598 = arith.index_cast %swap3A_596 : i32 to index
      %swap3A_599 = arith.constant 0 : index
      %swap3A_600 = tpu.vector_load %arg7[%swap3A_597, %swap3A_598, %swap3A_599] {strides = array<i32>} : memref<2x4x16xf32, #tpu.memory_space<vmem>>, vector<1x1x16xf32>,
      %swap3A_601 = vector.shape_cast %swap3A_600 : vector<1x1x16xf32> to vector<16xf32>
      %swap3A_602 = vector.shape_cast %div3A_578 : vector<16xf32> to vector<1x1x16xf32>
      tpu.vector_store %arg7[%swap3A_597, %swap3A_598, %swap3A_599], %swap3A_602 {strides = array<i32>} : memref<2x4x16xf32, #tpu.memory_space<vmem>>, vector<1x1x16xf32>,
      %sub3A_603 = arith.constant 1.000000e+00 : f32
      %sub3A_604 = vector.broadcast %sub3A_603 : f32 to vector<16xf32>
      %sub3A_605 = arith.subf %sub3A_604, %div3A_578 : vector<16xf32>
      %swap3A_606 = arith.constant 1 : i32
      %swap3A_607 = arith.constant 3 : i32
      %swap3A_608 = arith.index_cast %swap3A_606 : i32 to index
      %swap3A_609 = arith.index_cast %swap3A_607 : i32 to index
      %swap3A_610 = arith.constant 0 : index
      %swap3A_611 = tpu.vector_load %arg7[%swap3A_608, %swap3A_609, %swap3A_610] {strides = array<i32>} : memref<2x4x16xf32, #tpu.memory_space<vmem>>, vector<1x1x16xf32>,
      %swap3A_612 = vector.shape_cast %swap3A_611 : vector<1x1x16xf32> to vector<16xf32>
      %swap3A_613 = vector.shape_cast %sub3A_605 : vector<16xf32> to vector<1x1x16xf32>
      tpu.vector_store %arg7[%swap3A_608, %swap3A_609, %swap3A_610], %swap3A_613 {strides = array<i32>} : memref<2x4x16xf32, #tpu.memory_space<vmem>>, vector<1x1x16xf32>,
      "tpu.region"() ({
        %run_scoped3A = tpu.sem_alloc : memref<!tpu.dma_semaphore, #tpu.memory_space<semaphore_mem>>
        tpu.enqueue_dma source(%arg6 : memref<2x4x16xi32, #tpu.memory_space<vmem>>) target(%arg3 : memref<2x4x16xi32, #tpu.memory_space<hbm>>) target_semaphore(%run_scoped3A : memref<!tpu.dma_semaphore, #tpu.memory_space<semaphore_mem>>)
        tpu.wait_dma2 semaphore(%run_scoped3A : memref<!tpu.dma_semaphore, #tpu.memory_space<semaphore_mem>>) src(%arg6 : memref<2x4x16xi32, #tpu.memory_space<vmem>>) dst(%arg3 : memref<2x4x16xi32, #tpu.memory_space<hbm>>)
        tpu.yield
      }) : () -> ()
      "tpu.region"() ({
        %run_scoped3A = tpu.sem_alloc : memref<!tpu.dma_semaphore, #tpu.memory_space<semaphore_mem>>
        tpu.enqueue_dma source(%arg7 : memref<2x4x16xf32, #tpu.memory_space<vmem>>) target(%arg4 : memref<2x4x16xf32, #tpu.memory_space<hbm>>) target_semaphore(%run_scoped3A : memref<!tpu.dma_semaphore, #tpu.memory_space<semaphore_mem>>)
        tpu.wait_dma2 semaphore(%run_scoped3A : memref<!tpu.dma_semaphore, #tpu.memory_space<semaphore_mem>>) src(%arg7 : memref<2x4x16xf32, #tpu.memory_space<vmem>>) dst(%arg4 : memref<2x4x16xf32, #tpu.memory_space<hbm>>)
        tpu.yield
      }) : () -> ()
    } else {
    }
    return
  }
}

module attributes {stable_mosaic.version = 14 : i64} {
  func.func @_logits_body(%arg0: i32, %arg1: memref<4x1x256x196xf32, #tpu.memory_space<vmem>>, %arg2: memref<8x256xf32, #tpu.memory_space<vmem>>, %arg3: memref<1x4x8xf32, #tpu.memory_space<vmem>>) attributes {dimension_semantics = [#tpu.dimension_semantics<arbitrary>], iteration_bounds = array<i64: 16>, scalar_prefetch = 0 : i64, scratch_operands = 0 : i64, tpu.core_type = #tpu.core_type<tc>, window_params = [{transform_indices = @transform_0, window_bounds = array<i64: 4, 1, 256, 196>}, {pipeline_mode = #tpu.pipeline_mode<synchronous>, transform_indices = @transform_1, window_bounds = array<i64: 8, 256>}, {transform_indices = @transform_2, window_bounds = array<i64: 1, 4, 8>}]} {
    %get3A = arith.constant 0 : index
    %get3A_0 = arith.constant 0 : index
    %get3A_1 = arith.constant 0 : index
    %get3A_2 = arith.constant 0 : index
    %get3A_3 = vector.load %arg1[%get3A, %get3A_0, %get3A_1, %get3A_2] : memref<4x1x256x196xf32, #tpu.memory_space<vmem>>, vector<4x1x256x196xf32>
    %get3A_4 = vector.shape_cast %get3A_3 : vector<4x1x256x196xf32> to vector<4x256x196xf32>
    %broadcast_in_dim3A = arith.constant 1.000000e+00 : f32
    %broadcast_in_dim3A_5 = vector.broadcast %broadcast_in_dim3A : f32 to vector<196x1xf32>
    %broadcast_in_dim3A_6 = arith.constant 0.000000e+00 : f32
    %broadcast_in_dim3A_7 = vector.broadcast %broadcast_in_dim3A_6 : f32 to vector<256x196xf32>
    %slice3A = vector.extract_strided_slice %get3A_4 {offsets = [0, 0, 0], sizes = [1, 256, 196], strides = [1, 1, 1]} : vector<4x256x196xf32> to vector<1x256x196xf32>
    %squeeze3A = vector.shape_cast %slice3A : vector<1x256x196xf32> to vector<256x196xf32>
    %sub3A = arith.subf %squeeze3A, %broadcast_in_dim3A_7 : vector<256x196xf32>
    %div3A = arith.constant 2.000000e+00 : f32
    %div3A_8 = vector.broadcast %div3A : f32 to vector<256x196xf32>
    %div3A_9 = arith.divf %sub3A, %div3A_8 : vector<256x196xf32>
    %add3A = arith.addf %broadcast_in_dim3A_7, %div3A_9 : vector<256x196xf32>
    %sub3A_10 = arith.constant 1.000000e+00 : f32
    %sub3A_11 = vector.broadcast %sub3A_10 : f32 to vector<256x196xf32>
    %sub3A_12 = arith.subf %add3A, %sub3A_11 : vector<256x196xf32>
    %ge3A = arith.constant 0.000000e+00 : f32
    %ge3A_13 = vector.broadcast %ge3A : f32 to vector<256x196xf32>
    %ge3A_14 = arith.cmpf oge, %sub3A_12, %ge3A_13 : vector<256x196xf32>
    %convert_element_type3A = arith.extui %ge3A_14 : vector<256x196xi1> to vector<256x196xi32>
    %convert_element_type3A_15 = arith.sitofp %convert_element_type3A : vector<256x196xi32> to vector<256x196xf32>
    %jit3A = arith.constant 0.000000e+00 : f32
    %broadcast_in_dim3A_16 = vector.broadcast %jit3A : f32 to vector<256x196xf32>
    %select_n3A = arith.select %ge3A_14, %broadcast_in_dim3A_16, %add3A : vector<256x196xi1>, vector<256x196xf32>
    %dot_general3A = arith.constant dense<0.000000e+00> : vector<256x1xf32>
    %dot_general3A_17 = tpu.matmul %convert_element_type3A_15, %broadcast_in_dim3A_5, %dot_general3A {dimension_numbers = #tpu.dot_dimension_numbers<[1], [0], [0], [1], [0, 0, 1, 1], [], []>, transpose_lhs_hint = false} : vector<256x196xf32>, vector<196x1xf32>, vector<256x1xf32> -> vector<256x1xf32>
    %slice3A_18 = vector.extract_strided_slice %get3A_4 {offsets = [1, 0, 0], sizes = [1, 256, 196], strides = [1, 1, 1]} : vector<4x256x196xf32> to vector<1x256x196xf32>
    %squeeze3A_19 = vector.shape_cast %slice3A_18 : vector<1x256x196xf32> to vector<256x196xf32>
    %sub3A_20 = arith.subf %squeeze3A_19, %select_n3A : vector<256x196xf32>
    %div3A_21 = arith.constant 2.000000e+00 : f32
    %div3A_22 = vector.broadcast %div3A_21 : f32 to vector<256x196xf32>
    %div3A_23 = arith.divf %sub3A_20, %div3A_22 : vector<256x196xf32>
    %add3A_24 = arith.addf %select_n3A, %div3A_23 : vector<256x196xf32>
    %sub3A_25 = arith.constant 1.000000e+00 : f32
    %sub3A_26 = vector.broadcast %sub3A_25 : f32 to vector<256x196xf32>
    %sub3A_27 = arith.subf %add3A_24, %sub3A_26 : vector<256x196xf32>
    %ge3A_28 = arith.constant 0.000000e+00 : f32
    %ge3A_29 = vector.broadcast %ge3A_28 : f32 to vector<256x196xf32>
    %ge3A_30 = arith.cmpf oge, %sub3A_27, %ge3A_29 : vector<256x196xf32>
    %convert_element_type3A_31 = arith.extui %ge3A_30 : vector<256x196xi1> to vector<256x196xi32>
    %convert_element_type3A_32 = arith.sitofp %convert_element_type3A_31 : vector<256x196xi32> to vector<256x196xf32>
    %jit3A_33 = arith.constant 0.000000e+00 : f32
    %broadcast_in_dim3A_34 = vector.broadcast %jit3A_33 : f32 to vector<256x196xf32>
    %select_n3A_35 = arith.select %ge3A_30, %broadcast_in_dim3A_34, %add3A_24 : vector<256x196xi1>, vector<256x196xf32>
    %dot_general3A_36 = arith.constant dense<0.000000e+00> : vector<256x1xf32>
    %dot_general3A_37 = tpu.matmul %convert_element_type3A_32, %broadcast_in_dim3A_5, %dot_general3A_36 {dimension_numbers = #tpu.dot_dimension_numbers<[1], [0], [0], [1], [0, 0, 1, 1], [], []>, transpose_lhs_hint = false} : vector<256x196xf32>, vector<196x1xf32>, vector<256x1xf32> -> vector<256x1xf32>
    %slice3A_38 = vector.extract_strided_slice %get3A_4 {offsets = [2, 0, 0], sizes = [1, 256, 196], strides = [1, 1, 1]} : vector<4x256x196xf32> to vector<1x256x196xf32>
    %squeeze3A_39 = vector.shape_cast %slice3A_38 : vector<1x256x196xf32> to vector<256x196xf32>
    %sub3A_40 = arith.subf %squeeze3A_39, %select_n3A_35 : vector<256x196xf32>
    %div3A_41 = arith.constant 2.000000e+00 : f32
    %div3A_42 = vector.broadcast %div3A_41 : f32 to vector<256x196xf32>
    %div3A_43 = arith.divf %sub3A_40, %div3A_42 : vector<256x196xf32>
    %add3A_44 = arith.addf %select_n3A_35, %div3A_43 : vector<256x196xf32>
    %sub3A_45 = arith.constant 1.000000e+00 : f32
    %sub3A_46 = vector.broadcast %sub3A_45 : f32 to vector<256x196xf32>
    %sub3A_47 = arith.subf %add3A_44, %sub3A_46 : vector<256x196xf32>
    %ge3A_48 = arith.constant 0.000000e+00 : f32
    %ge3A_49 = vector.broadcast %ge3A_48 : f32 to vector<256x196xf32>
    %ge3A_50 = arith.cmpf oge, %sub3A_47, %ge3A_49 : vector<256x196xf32>
    %convert_element_type3A_51 = arith.extui %ge3A_50 : vector<256x196xi1> to vector<256x196xi32>
    %convert_element_type3A_52 = arith.sitofp %convert_element_type3A_51 : vector<256x196xi32> to vector<256x196xf32>
    %jit3A_53 = arith.constant 0.000000e+00 : f32
    %broadcast_in_dim3A_54 = vector.broadcast %jit3A_53 : f32 to vector<256x196xf32>
    %select_n3A_55 = arith.select %ge3A_50, %broadcast_in_dim3A_54, %add3A_44 : vector<256x196xi1>, vector<256x196xf32>
    %dot_general3A_56 = arith.constant dense<0.000000e+00> : vector<256x1xf32>
    %dot_general3A_57 = tpu.matmul %convert_element_type3A_52, %broadcast_in_dim3A_5, %dot_general3A_56 {dimension_numbers = #tpu.dot_dimension_numbers<[1], [0], [0], [1], [0, 0, 1, 1], [], []>, transpose_lhs_hint = false} : vector<256x196xf32>, vector<196x1xf32>, vector<256x1xf32> -> vector<256x1xf32>
    %slice3A_58 = vector.extract_strided_slice %get3A_4 {offsets = [3, 0, 0], sizes = [1, 256, 196], strides = [1, 1, 1]} : vector<4x256x196xf32> to vector<1x256x196xf32>
    %squeeze3A_59 = vector.shape_cast %slice3A_58 : vector<1x256x196xf32> to vector<256x196xf32>
    %sub3A_60 = arith.subf %squeeze3A_59, %select_n3A_55 : vector<256x196xf32>
    %div3A_61 = arith.constant 2.000000e+00 : f32
    %div3A_62 = vector.broadcast %div3A_61 : f32 to vector<256x196xf32>
    %div3A_63 = arith.divf %sub3A_60, %div3A_62 : vector<256x196xf32>
    %add3A_64 = arith.addf %select_n3A_55, %div3A_63 : vector<256x196xf32>
    %sub3A_65 = arith.constant 1.000000e+00 : f32
    %sub3A_66 = vector.broadcast %sub3A_65 : f32 to vector<256x196xf32>
    %sub3A_67 = arith.subf %add3A_64, %sub3A_66 : vector<256x196xf32>
    %ge3A_68 = arith.constant 0.000000e+00 : f32
    %ge3A_69 = vector.broadcast %ge3A_68 : f32 to vector<256x196xf32>
    %ge3A_70 = arith.cmpf oge, %sub3A_67, %ge3A_69 : vector<256x196xf32>
    %convert_element_type3A_71 = arith.extui %ge3A_70 : vector<256x196xi1> to vector<256x196xi32>
    %convert_element_type3A_72 = arith.sitofp %convert_element_type3A_71 : vector<256x196xi32> to vector<256x196xf32>
    %dot_general3A_73 = arith.constant dense<0.000000e+00> : vector<256x1xf32>
    %dot_general3A_74 = tpu.matmul %convert_element_type3A_72, %broadcast_in_dim3A_5, %dot_general3A_73 {dimension_numbers = #tpu.dot_dimension_numbers<[1], [0], [0], [1], [0, 0, 1, 1], [], []>, transpose_lhs_hint = false} : vector<256x196xf32>, vector<196x1xf32>, vector<256x1xf32> -> vector<256x1xf32>
    %concatenate3A = tpu.concatenate %dot_general3A_17, %dot_general3A_37, %dot_general3A_57, %dot_general3A_74 in 1 : vector<256x1xf32>, vector<256x1xf32>, vector<256x1xf32>, vector<256x1xf32> -> vector<256x4xf32>
    %get3A_75 = arith.constant 0 : index
    %get3A_76 = arith.constant 0 : index
    %get3A_77 = vector.load %arg2[%get3A_75, %get3A_76] : memref<8x256xf32, #tpu.memory_space<vmem>>, vector<8x256xf32>
    %dot_general3A_78 = arith.constant dense<0.000000e+00> : vector<4x8xf32>
    %dot_general3A_79 = tpu.matmul %concatenate3A, %get3A_77, %dot_general3A_78 {dimension_numbers = #tpu.dot_dimension_numbers<[0], [1], [1], [0], [0, 1, 1, 0], [], []>, transpose_lhs_hint = false} : vector<256x4xf32>, vector<8x256xf32>, vector<4x8xf32> -> vector<4x8xf32>
    %mul3A = arith.constant 0.00510204071 : f32
    %mul3A_80 = vector.broadcast %mul3A : f32 to vector<4x8xf32>
    %mul3A_81 = arith.mulf %dot_general3A_79, %mul3A_80 : vector<4x8xf32>
    %swap3A = arith.constant 0 : index
    %swap3A_82 = arith.constant 0 : index
    %swap3A_83 = arith.constant 0 : index
    %swap3A_84 = vector.load %arg3[%swap3A, %swap3A_82, %swap3A_83] : memref<1x4x8xf32, #tpu.memory_space<vmem>>, vector<1x4x8xf32>
    %swap3A_85 = vector.shape_cast %swap3A_84 : vector<1x4x8xf32> to vector<4x8xf32>
    %swap3A_86 = vector.shape_cast %mul3A_81 : vector<4x8xf32> to vector<1x4x8xf32>
    tpu.vector_store %arg3[%swap3A, %swap3A_82, %swap3A_83], %swap3A_86 {strides = array<i32>} : memref<1x4x8xf32, #tpu.memory_space<vmem>>, vector<1x4x8xf32>,
    return
  }
  func.func @transform_0(%arg0: i32) -> (i32, i32, i32, i32) {
    %c0_i32 = arith.constant 0 : i32
    %c0_i32_0 = arith.constant 0 : i32
    %c0_i32_1 = arith.constant 0 : i32
    %c0_i32_2 = arith.constant 0 : i32
    return %c0_i32, %arg0, %c0_i32_0, %c0_i32_1 : i32, i32, i32, i32
  }
  func.func @transform_1(%arg0: i32) -> (i32, i32) {
    %c0_i32 = arith.constant 0 : i32
    %c0_i32_0 = arith.constant 0 : i32
    %c0_i32_1 = arith.constant 0 : i32
    return %c0_i32, %c0_i32_0 : i32, i32
  }
  func.func @transform_2(%arg0: i32) -> (i32, i32, i32) {
    %c0_i32 = arith.constant 0 : i32
    %c0_i32_0 = arith.constant 0 : i32
    %c0_i32_1 = arith.constant 0 : i32
    return %arg0, %c0_i32, %c0_i32_0 : i32, i32, i32
  }
}

module attributes {stable_mosaic.version = 14 : i64} {
  func.func @_expert_body(%arg0: i32, %arg1: memref<2x4x16xi32, #tpu.memory_space<smem>>, %arg2: memref<2x4x16xf32, #tpu.memory_space<smem>>, %arg3: memref<8xf32, #tpu.memory_space<smem>>, %arg4: memref<4x1x256x196xf32, #tpu.memory_space<vmem>>, %arg5: memref<8x256x256xbf16, #tpu.memory_space<vmem>>, %arg6: memref<8x256x256xbf16, #tpu.memory_space<vmem>>, %arg7: memref<4x1x256x196xbf16, #tpu.memory_space<vmem>>) attributes {dimension_semantics = [#tpu.dimension_semantics<arbitrary>], iteration_bounds = array<i64: 16>, scalar_prefetch = 0 : i64, scratch_operands = 0 : i64, tpu.core_type = #tpu.core_type<tc>, window_params = [{transform_indices = @transform_0, window_bounds = array<i64: 2, 4, 16>}, {transform_indices = @transform_1, window_bounds = array<i64: 2, 4, 16>}, {transform_indices = @transform_2, window_bounds = array<i64: 8>}, {transform_indices = @transform_3, window_bounds = array<i64: 4, 1, 256, 196>}, {pipeline_mode = #tpu.pipeline_mode<synchronous>, transform_indices = @transform_4, window_bounds = array<i64: 8, 256, 256>}, {pipeline_mode = #tpu.pipeline_mode<synchronous>, transform_indices = @transform_5, window_bounds = array<i64: 8, 256, 256>}, {transform_indices = @transform_6, window_bounds = array<i64: 4, 1, 256, 196>}]} {
    %get3A = arith.constant 0 : index
    %get3A_0 = arith.constant 0 : index
    %get3A_1 = arith.constant 0 : index
    %get3A_2 = arith.constant 0 : index
    %get3A_3 = vector.load %arg4[%get3A, %get3A_0, %get3A_1, %get3A_2] : memref<4x1x256x196xf32, #tpu.memory_space<vmem>>, vector<1x1x256x196xf32>
    %get3A_4 = vector.shape_cast %get3A_3 : vector<1x1x256x196xf32> to vector<256x196xf32>
    %broadcast_in_dim3A = arith.constant 0.000000e+00 : f32
    %broadcast_in_dim3A_5 = vector.broadcast %broadcast_in_dim3A : f32 to vector<256x196xf32>
    %get3A_6 = arith.constant 0 : index
    %get3A_7 = arith.constant 0 : index
    %get3A_8 = arith.index_cast %arg0 : i32 to index
    %get3A_9 = memref.load %arg1[%get3A_6, %get3A_7, %get3A_8] : memref<2x4x16xi32, #tpu.memory_space<smem>>
    %get3A_10 = arith.index_cast %get3A_9 : i32 to index
    %get3A_11 = memref.load %arg3[%get3A_10] : memref<8xf32, #tpu.memory_space<smem>>
    %div3A = vector.broadcast %get3A_11 : f32 to vector<256x196xf32>
    %div3A_12 = arith.divf %get3A_4, %div3A : vector<256x196xf32>
    %sub3A = arith.constant 1.000000e+00 : f32
    %sub3A_13 = vector.broadcast %sub3A : f32 to vector<256x196xf32>
    %sub3A_14 = arith.subf %div3A_12, %sub3A_13 : vector<256x196xf32>
    %ge3A = arith.constant 0.000000e+00 : f32
    %ge3A_15 = vector.broadcast %ge3A : f32 to vector<256x196xf32>
    %ge3A_16 = arith.cmpf oge, %sub3A_14, %ge3A_15 : vector<256x196xf32>
    %convert_element_type3A = arith.extui %ge3A_16 : vector<256x196xi1> to vector<256x196xi32>
    %convert_element_type3A_17 = arith.sitofp %convert_element_type3A : vector<256x196xi32> to vector<256x196xf32>
    %convert_element_type3A_18 = arith.truncf %convert_element_type3A_17 : vector<256x196xf32> to vector<256x196xbf16>
    %get3A_19 = arith.index_cast %get3A_9 : i32 to index
    %get3A_20 = arith.constant 0 : index
    %get3A_21 = arith.constant 0 : index
    %get3A_22 = vector.load %arg5[%get3A_19, %get3A_20, %get3A_21] : memref<8x256x256xbf16, #tpu.memory_space<vmem>>, vector<1x256x256xbf16>
    %get3A_23 = vector.shape_cast %get3A_22 : vector<1x256x256xbf16> to vector<256x256xbf16>
    %dot_general3A = arith.constant dense<0.000000e+00> : vector<256x196xf32>
    %dot_general3A_24 = tpu.matmul %get3A_23, %convert_element_type3A_18, %dot_general3A {dimension_numbers = #tpu.dot_dimension_numbers<[1], [0], [0], [1], [0, 0, 1, 1], [], []>, transpose_lhs_hint = false} : vector<256x256xbf16>, vector<256x196xbf16>, vector<256x196xf32> -> vector<256x196xf32>
    %add3A = arith.addf %get3A_4, %dot_general3A_24 : vector<256x196xf32>
    %div3A_25 = vector.broadcast %get3A_11 : f32 to vector<256x196xf32>
    %div3A_26 = arith.divf %add3A, %div3A_25 : vector<256x196xf32>
    %sub3A_27 = arith.constant 1.000000e+00 : f32
    %sub3A_28 = vector.broadcast %sub3A_27 : f32 to vector<256x196xf32>
    %sub3A_29 = arith.subf %div3A_26, %sub3A_28 : vector<256x196xf32>
    %ge3A_30 = arith.constant 0.000000e+00 : f32
    %ge3A_31 = vector.broadcast %ge3A_30 : f32 to vector<256x196xf32>
    %ge3A_32 = arith.cmpf oge, %sub3A_29, %ge3A_31 : vector<256x196xf32>
    %convert_element_type3A_33 = arith.extui %ge3A_32 : vector<256x196xi1> to vector<256x196xi32>
    %convert_element_type3A_34 = arith.sitofp %convert_element_type3A_33 : vector<256x196xi32> to vector<256x196xf32>
    %convert_element_type3A_35 = arith.truncf %convert_element_type3A_34 : vector<256x196xf32> to vector<256x196xbf16>
    %get3A_36 = arith.index_cast %get3A_9 : i32 to index
    %get3A_37 = arith.constant 0 : index
    %get3A_38 = arith.constant 0 : index
    %get3A_39 = vector.load %arg6[%get3A_36, %get3A_37, %get3A_38] : memref<8x256x256xbf16, #tpu.memory_space<vmem>>, vector<1x256x256xbf16>
    %get3A_40 = vector.shape_cast %get3A_39 : vector<1x256x256xbf16> to vector<256x256xbf16>
    %dot_general3A_41 = arith.constant dense<0.000000e+00> : vector<256x196xf32>
    %dot_general3A_42 = tpu.matmul %get3A_40, %convert_element_type3A_35, %dot_general3A_41 {dimension_numbers = #tpu.dot_dimension_numbers<[1], [0], [0], [1], [0, 0, 1, 1], [], []>, transpose_lhs_hint = false} : vector<256x256xbf16>, vector<256x196xbf16>, vector<256x196xf32> -> vector<256x196xf32>
    %get3A_43 = arith.constant 0 : index
    %get3A_44 = arith.constant 0 : index
    %get3A_45 = arith.index_cast %arg0 : i32 to index
    %get3A_46 = memref.load %arg2[%get3A_43, %get3A_44, %get3A_45] : memref<2x4x16xf32, #tpu.memory_space<smem>>
    %add3A_47 = arith.addf %dot_general3A_42, %add3A : vector<256x196xf32>
    %mul3A = vector.broadcast %get3A_46 : f32 to vector<256x196xf32>
    %mul3A_48 = arith.mulf %mul3A, %add3A_47 : vector<256x196xf32>
    %add3A_49 = arith.addf %broadcast_in_dim3A_5, %mul3A_48 : vector<256x196xf32>
    %get3A_50 = arith.constant 1 : index
    %get3A_51 = arith.constant 0 : index
    %get3A_52 = arith.index_cast %arg0 : i32 to index
    %get3A_53 = memref.load %arg1[%get3A_50, %get3A_51, %get3A_52] : memref<2x4x16xi32, #tpu.memory_space<smem>>
    %get3A_54 = arith.index_cast %get3A_53 : i32 to index
    %get3A_55 = memref.load %arg3[%get3A_54] : memref<8xf32, #tpu.memory_space<smem>>
    %div3A_56 = vector.broadcast %get3A_55 : f32 to vector<256x196xf32>
    %div3A_57 = arith.divf %get3A_4, %div3A_56 : vector<256x196xf32>
    %sub3A_58 = arith.constant 1.000000e+00 : f32
    %sub3A_59 = vector.broadcast %sub3A_58 : f32 to vector<256x196xf32>
    %sub3A_60 = arith.subf %div3A_57, %sub3A_59 : vector<256x196xf32>
    %ge3A_61 = arith.constant 0.000000e+00 : f32
    %ge3A_62 = vector.broadcast %ge3A_61 : f32 to vector<256x196xf32>
    %ge3A_63 = arith.cmpf oge, %sub3A_60, %ge3A_62 : vector<256x196xf32>
    %convert_element_type3A_64 = arith.extui %ge3A_63 : vector<256x196xi1> to vector<256x196xi32>
    %convert_element_type3A_65 = arith.sitofp %convert_element_type3A_64 : vector<256x196xi32> to vector<256x196xf32>
    %convert_element_type3A_66 = arith.truncf %convert_element_type3A_65 : vector<256x196xf32> to vector<256x196xbf16>
    %get3A_67 = arith.index_cast %get3A_53 : i32 to index
    %get3A_68 = arith.constant 0 : index
    %get3A_69 = arith.constant 0 : index
    %get3A_70 = vector.load %arg5[%get3A_67, %get3A_68, %get3A_69] : memref<8x256x256xbf16, #tpu.memory_space<vmem>>, vector<1x256x256xbf16>
    %get3A_71 = vector.shape_cast %get3A_70 : vector<1x256x256xbf16> to vector<256x256xbf16>
    %dot_general3A_72 = arith.constant dense<0.000000e+00> : vector<256x196xf32>
    %dot_general3A_73 = tpu.matmul %get3A_71, %convert_element_type3A_66, %dot_general3A_72 {dimension_numbers = #tpu.dot_dimension_numbers<[1], [0], [0], [1], [0, 0, 1, 1], [], []>, transpose_lhs_hint = false} : vector<256x256xbf16>, vector<256x196xbf16>, vector<256x196xf32> -> vector<256x196xf32>
    %add3A_74 = arith.addf %get3A_4, %dot_general3A_73 : vector<256x196xf32>
    %div3A_75 = vector.broadcast %get3A_55 : f32 to vector<256x196xf32>
    %div3A_76 = arith.divf %add3A_74, %div3A_75 : vector<256x196xf32>
    %sub3A_77 = arith.constant 1.000000e+00 : f32
    %sub3A_78 = vector.broadcast %sub3A_77 : f32 to vector<256x196xf32>
    %sub3A_79 = arith.subf %div3A_76, %sub3A_78 : vector<256x196xf32>
    %ge3A_80 = arith.constant 0.000000e+00 : f32
    %ge3A_81 = vector.broadcast %ge3A_80 : f32 to vector<256x196xf32>
    %ge3A_82 = arith.cmpf oge, %sub3A_79, %ge3A_81 : vector<256x196xf32>
    %convert_element_type3A_83 = arith.extui %ge3A_82 : vector<256x196xi1> to vector<256x196xi32>
    %convert_element_type3A_84 = arith.sitofp %convert_element_type3A_83 : vector<256x196xi32> to vector<256x196xf32>
    %convert_element_type3A_85 = arith.truncf %convert_element_type3A_84 : vector<256x196xf32> to vector<256x196xbf16>
    %get3A_86 = arith.index_cast %get3A_53 : i32 to index
    %get3A_87 = arith.constant 0 : index
    %get3A_88 = arith.constant 0 : index
    %get3A_89 = vector.load %arg6[%get3A_86, %get3A_87, %get3A_88] : memref<8x256x256xbf16, #tpu.memory_space<vmem>>, vector<1x256x256xbf16>
    %get3A_90 = vector.shape_cast %get3A_89 : vector<1x256x256xbf16> to vector<256x256xbf16>
    %dot_general3A_91 = arith.constant dense<0.000000e+00> : vector<256x196xf32>
    %dot_general3A_92 = tpu.matmul %get3A_90, %convert_element_type3A_85, %dot_general3A_91 {dimension_numbers = #tpu.dot_dimension_numbers<[1], [0], [0], [1], [0, 0, 1, 1], [], []>, transpose_lhs_hint = false} : vector<256x256xbf16>, vector<256x196xbf16>, vector<256x196xf32> -> vector<256x196xf32>
    %get3A_93 = arith.constant 1 : index
    %get3A_94 = arith.constant 0 : index
    %get3A_95 = arith.index_cast %arg0 : i32 to index
    %get3A_96 = memref.load %arg2[%get3A_93, %get3A_94, %get3A_95] : memref<2x4x16xf32, #tpu.memory_space<smem>>
    %add3A_97 = arith.addf %dot_general3A_92, %add3A_74 : vector<256x196xf32>
    %mul3A_98 = vector.broadcast %get3A_96 : f32 to vector<256x196xf32>
    %mul3A_99 = arith.mulf %mul3A_98, %add3A_97 : vector<256x196xf32>
    %add3A_100 = arith.addf %add3A_49, %mul3A_99 : vector<256x196xf32>
    %convert_element_type3A_101 = arith.truncf %add3A_100 : vector<256x196xf32> to vector<256x196xbf16>
    %swap3A = arith.constant 0 : index
    %swap3A_102 = arith.constant 0 : index
    %swap3A_103 = arith.constant 0 : index
    %swap3A_104 = arith.constant 0 : index
    %swap3A_105 = vector.load %arg7[%swap3A, %swap3A_102, %swap3A_103, %swap3A_104] : memref<4x1x256x196xbf16, #tpu.memory_space<vmem>>, vector<1x1x256x196xbf16>
    %swap3A_106 = vector.shape_cast %swap3A_105 : vector<1x1x256x196xbf16> to vector<256x196xbf16>
    %swap3A_107 = vector.shape_cast %convert_element_type3A_101 : vector<256x196xbf16> to vector<1x1x256x196xbf16>
    tpu.vector_store %arg7[%swap3A, %swap3A_102, %swap3A_103, %swap3A_104], %swap3A_107 {strides = array<i32>} : memref<4x1x256x196xbf16, #tpu.memory_space<vmem>>, vector<1x1x256x196xbf16>,
    %get3A_108 = arith.constant 1 : index
    %get3A_109 = arith.constant 0 : index
    %get3A_110 = arith.constant 0 : index
    %get3A_111 = arith.constant 0 : index
    %get3A_112 = vector.load %arg4[%get3A_108, %get3A_109, %get3A_110, %get3A_111] : memref<4x1x256x196xf32, #tpu.memory_space<vmem>>, vector<1x1x256x196xf32>
    %get3A_113 = vector.shape_cast %get3A_112 : vector<1x1x256x196xf32> to vector<256x196xf32>
    %broadcast_in_dim3A_114 = arith.constant 0.000000e+00 : f32
    %broadcast_in_dim3A_115 = vector.broadcast %broadcast_in_dim3A_114 : f32 to vector<256x196xf32>
    %get3A_116 = arith.constant 0 : index
    %get3A_117 = arith.constant 1 : index
    %get3A_118 = arith.index_cast %arg0 : i32 to index
    %get3A_119 = memref.load %arg1[%get3A_116, %get3A_117, %get3A_118] : memref<2x4x16xi32, #tpu.memory_space<smem>>
    %get3A_120 = arith.index_cast %get3A_119 : i32 to index
    %get3A_121 = memref.load %arg3[%get3A_120] : memref<8xf32, #tpu.memory_space<smem>>
    %div3A_122 = vector.broadcast %get3A_121 : f32 to vector<256x196xf32>
    %div3A_123 = arith.divf %get3A_113, %div3A_122 : vector<256x196xf32>
    %sub3A_124 = arith.constant 1.000000e+00 : f32
    %sub3A_125 = vector.broadcast %sub3A_124 : f32 to vector<256x196xf32>
    %sub3A_126 = arith.subf %div3A_123, %sub3A_125 : vector<256x196xf32>
    %ge3A_127 = arith.constant 0.000000e+00 : f32
    %ge3A_128 = vector.broadcast %ge3A_127 : f32 to vector<256x196xf32>
    %ge3A_129 = arith.cmpf oge, %sub3A_126, %ge3A_128 : vector<256x196xf32>
    %convert_element_type3A_130 = arith.extui %ge3A_129 : vector<256x196xi1> to vector<256x196xi32>
    %convert_element_type3A_131 = arith.sitofp %convert_element_type3A_130 : vector<256x196xi32> to vector<256x196xf32>
    %convert_element_type3A_132 = arith.truncf %convert_element_type3A_131 : vector<256x196xf32> to vector<256x196xbf16>
    %get3A_133 = arith.index_cast %get3A_119 : i32 to index
    %get3A_134 = arith.constant 0 : index
    %get3A_135 = arith.constant 0 : index
    %get3A_136 = vector.load %arg5[%get3A_133, %get3A_134, %get3A_135] : memref<8x256x256xbf16, #tpu.memory_space<vmem>>, vector<1x256x256xbf16>
    %get3A_137 = vector.shape_cast %get3A_136 : vector<1x256x256xbf16> to vector<256x256xbf16>
    %dot_general3A_138 = arith.constant dense<0.000000e+00> : vector<256x196xf32>
    %dot_general3A_139 = tpu.matmul %get3A_137, %convert_element_type3A_132, %dot_general3A_138 {dimension_numbers = #tpu.dot_dimension_numbers<[1], [0], [0], [1], [0, 0, 1, 1], [], []>, transpose_lhs_hint = false} : vector<256x256xbf16>, vector<256x196xbf16>, vector<256x196xf32> -> vector<256x196xf32>
    %add3A_140 = arith.addf %get3A_113, %dot_general3A_139 : vector<256x196xf32>
    %div3A_141 = vector.broadcast %get3A_121 : f32 to vector<256x196xf32>
    %div3A_142 = arith.divf %add3A_140, %div3A_141 : vector<256x196xf32>
    %sub3A_143 = arith.constant 1.000000e+00 : f32
    %sub3A_144 = vector.broadcast %sub3A_143 : f32 to vector<256x196xf32>
    %sub3A_145 = arith.subf %div3A_142, %sub3A_144 : vector<256x196xf32>
    %ge3A_146 = arith.constant 0.000000e+00 : f32
    %ge3A_147 = vector.broadcast %ge3A_146 : f32 to vector<256x196xf32>
    %ge3A_148 = arith.cmpf oge, %sub3A_145, %ge3A_147 : vector<256x196xf32>
    %convert_element_type3A_149 = arith.extui %ge3A_148 : vector<256x196xi1> to vector<256x196xi32>
    %convert_element_type3A_150 = arith.sitofp %convert_element_type3A_149 : vector<256x196xi32> to vector<256x196xf32>
    %convert_element_type3A_151 = arith.truncf %convert_element_type3A_150 : vector<256x196xf32> to vector<256x196xbf16>
    %get3A_152 = arith.index_cast %get3A_119 : i32 to index
    %get3A_153 = arith.constant 0 : index
    %get3A_154 = arith.constant 0 : index
    %get3A_155 = vector.load %arg6[%get3A_152, %get3A_153, %get3A_154] : memref<8x256x256xbf16, #tpu.memory_space<vmem>>, vector<1x256x256xbf16>
    %get3A_156 = vector.shape_cast %get3A_155 : vector<1x256x256xbf16> to vector<256x256xbf16>
    %dot_general3A_157 = arith.constant dense<0.000000e+00> : vector<256x196xf32>
    %dot_general3A_158 = tpu.matmul %get3A_156, %convert_element_type3A_151, %dot_general3A_157 {dimension_numbers = #tpu.dot_dimension_numbers<[1], [0], [0], [1], [0, 0, 1, 1], [], []>, transpose_lhs_hint = false} : vector<256x256xbf16>, vector<256x196xbf16>, vector<256x196xf32> -> vector<256x196xf32>
    %get3A_159 = arith.constant 0 : index
    %get3A_160 = arith.constant 1 : index
    %get3A_161 = arith.index_cast %arg0 : i32 to index
    %get3A_162 = memref.load %arg2[%get3A_159, %get3A_160, %get3A_161] : memref<2x4x16xf32, #tpu.memory_space<smem>>
    %add3A_163 = arith.addf %dot_general3A_158, %add3A_140 : vector<256x196xf32>
    %mul3A_164 = vector.broadcast %get3A_162 : f32 to vector<256x196xf32>
    %mul3A_165 = arith.mulf %mul3A_164, %add3A_163 : vector<256x196xf32>
    %add3A_166 = arith.addf %broadcast_in_dim3A_115, %mul3A_165 : vector<256x196xf32>
    %get3A_167 = arith.constant 1 : index
    %get3A_168 = arith.constant 1 : index
    %get3A_169 = arith.index_cast %arg0 : i32 to index
    %get3A_170 = memref.load %arg1[%get3A_167, %get3A_168, %get3A_169] : memref<2x4x16xi32, #tpu.memory_space<smem>>
    %get3A_171 = arith.index_cast %get3A_170 : i32 to index
    %get3A_172 = memref.load %arg3[%get3A_171] : memref<8xf32, #tpu.memory_space<smem>>
    %div3A_173 = vector.broadcast %get3A_172 : f32 to vector<256x196xf32>
    %div3A_174 = arith.divf %get3A_113, %div3A_173 : vector<256x196xf32>
    %sub3A_175 = arith.constant 1.000000e+00 : f32
    %sub3A_176 = vector.broadcast %sub3A_175 : f32 to vector<256x196xf32>
    %sub3A_177 = arith.subf %div3A_174, %sub3A_176 : vector<256x196xf32>
    %ge3A_178 = arith.constant 0.000000e+00 : f32
    %ge3A_179 = vector.broadcast %ge3A_178 : f32 to vector<256x196xf32>
    %ge3A_180 = arith.cmpf oge, %sub3A_177, %ge3A_179 : vector<256x196xf32>
    %convert_element_type3A_181 = arith.extui %ge3A_180 : vector<256x196xi1> to vector<256x196xi32>
    %convert_element_type3A_182 = arith.sitofp %convert_element_type3A_181 : vector<256x196xi32> to vector<256x196xf32>
    %convert_element_type3A_183 = arith.truncf %convert_element_type3A_182 : vector<256x196xf32> to vector<256x196xbf16>
    %get3A_184 = arith.index_cast %get3A_170 : i32 to index
    %get3A_185 = arith.constant 0 : index
    %get3A_186 = arith.constant 0 : index
    %get3A_187 = vector.load %arg5[%get3A_184, %get3A_185, %get3A_186] : memref<8x256x256xbf16, #tpu.memory_space<vmem>>, vector<1x256x256xbf16>
    %get3A_188 = vector.shape_cast %get3A_187 : vector<1x256x256xbf16> to vector<256x256xbf16>
    %dot_general3A_189 = arith.constant dense<0.000000e+00> : vector<256x196xf32>
    %dot_general3A_190 = tpu.matmul %get3A_188, %convert_element_type3A_183, %dot_general3A_189 {dimension_numbers = #tpu.dot_dimension_numbers<[1], [0], [0], [1], [0, 0, 1, 1], [], []>, transpose_lhs_hint = false} : vector<256x256xbf16>, vector<256x196xbf16>, vector<256x196xf32> -> vector<256x196xf32>
    %add3A_191 = arith.addf %get3A_113, %dot_general3A_190 : vector<256x196xf32>
    %div3A_192 = vector.broadcast %get3A_172 : f32 to vector<256x196xf32>
    %div3A_193 = arith.divf %add3A_191, %div3A_192 : vector<256x196xf32>
    %sub3A_194 = arith.constant 1.000000e+00 : f32
    %sub3A_195 = vector.broadcast %sub3A_194 : f32 to vector<256x196xf32>
    %sub3A_196 = arith.subf %div3A_193, %sub3A_195 : vector<256x196xf32>
    %ge3A_197 = arith.constant 0.000000e+00 : f32
    %ge3A_198 = vector.broadcast %ge3A_197 : f32 to vector<256x196xf32>
    %ge3A_199 = arith.cmpf oge, %sub3A_196, %ge3A_198 : vector<256x196xf32>
    %convert_element_type3A_200 = arith.extui %ge3A_199 : vector<256x196xi1> to vector<256x196xi32>
    %convert_element_type3A_201 = arith.sitofp %convert_element_type3A_200 : vector<256x196xi32> to vector<256x196xf32>
    %convert_element_type3A_202 = arith.truncf %convert_element_type3A_201 : vector<256x196xf32> to vector<256x196xbf16>
    %get3A_203 = arith.index_cast %get3A_170 : i32 to index
    %get3A_204 = arith.constant 0 : index
    %get3A_205 = arith.constant 0 : index
    %get3A_206 = vector.load %arg6[%get3A_203, %get3A_204, %get3A_205] : memref<8x256x256xbf16, #tpu.memory_space<vmem>>, vector<1x256x256xbf16>
    %get3A_207 = vector.shape_cast %get3A_206 : vector<1x256x256xbf16> to vector<256x256xbf16>
    %dot_general3A_208 = arith.constant dense<0.000000e+00> : vector<256x196xf32>
    %dot_general3A_209 = tpu.matmul %get3A_207, %convert_element_type3A_202, %dot_general3A_208 {dimension_numbers = #tpu.dot_dimension_numbers<[1], [0], [0], [1], [0, 0, 1, 1], [], []>, transpose_lhs_hint = false} : vector<256x256xbf16>, vector<256x196xbf16>, vector<256x196xf32> -> vector<256x196xf32>
    %get3A_210 = arith.constant 1 : index
    %get3A_211 = arith.constant 1 : index
    %get3A_212 = arith.index_cast %arg0 : i32 to index
    %get3A_213 = memref.load %arg2[%get3A_210, %get3A_211, %get3A_212] : memref<2x4x16xf32, #tpu.memory_space<smem>>
    %add3A_214 = arith.addf %dot_general3A_209, %add3A_191 : vector<256x196xf32>
    %mul3A_215 = vector.broadcast %get3A_213 : f32 to vector<256x196xf32>
    %mul3A_216 = arith.mulf %mul3A_215, %add3A_214 : vector<256x196xf32>
    %add3A_217 = arith.addf %add3A_166, %mul3A_216 : vector<256x196xf32>
    %convert_element_type3A_218 = arith.truncf %add3A_217 : vector<256x196xf32> to vector<256x196xbf16>
    %swap3A_219 = arith.constant 1 : index
    %swap3A_220 = arith.constant 0 : index
    %swap3A_221 = arith.constant 0 : index
    %swap3A_222 = arith.constant 0 : index
    %swap3A_223 = vector.load %arg7[%swap3A_219, %swap3A_220, %swap3A_221, %swap3A_222] : memref<4x1x256x196xbf16, #tpu.memory_space<vmem>>, vector<1x1x256x196xbf16>
    %swap3A_224 = vector.shape_cast %swap3A_223 : vector<1x1x256x196xbf16> to vector<256x196xbf16>
    %swap3A_225 = vector.shape_cast %convert_element_type3A_218 : vector<256x196xbf16> to vector<1x1x256x196xbf16>
    tpu.vector_store %arg7[%swap3A_219, %swap3A_220, %swap3A_221, %swap3A_222], %swap3A_225 {strides = array<i32>} : memref<4x1x256x196xbf16, #tpu.memory_space<vmem>>, vector<1x1x256x196xbf16>,
    %get3A_226 = arith.constant 2 : index
    %get3A_227 = arith.constant 0 : index
    %get3A_228 = arith.constant 0 : index
    %get3A_229 = arith.constant 0 : index
    %get3A_230 = vector.load %arg4[%get3A_226, %get3A_227, %get3A_228, %get3A_229] : memref<4x1x256x196xf32, #tpu.memory_space<vmem>>, vector<1x1x256x196xf32>
    %get3A_231 = vector.shape_cast %get3A_230 : vector<1x1x256x196xf32> to vector<256x196xf32>
    %broadcast_in_dim3A_232 = arith.constant 0.000000e+00 : f32
    %broadcast_in_dim3A_233 = vector.broadcast %broadcast_in_dim3A_232 : f32 to vector<256x196xf32>
    %get3A_234 = arith.constant 0 : index
    %get3A_235 = arith.constant 2 : index
    %get3A_236 = arith.index_cast %arg0 : i32 to index
    %get3A_237 = memref.load %arg1[%get3A_234, %get3A_235, %get3A_236] : memref<2x4x16xi32, #tpu.memory_space<smem>>
    %get3A_238 = arith.index_cast %get3A_237 : i32 to index
    %get3A_239 = memref.load %arg3[%get3A_238] : memref<8xf32, #tpu.memory_space<smem>>
    %div3A_240 = vector.broadcast %get3A_239 : f32 to vector<256x196xf32>
    %div3A_241 = arith.divf %get3A_231, %div3A_240 : vector<256x196xf32>
    %sub3A_242 = arith.constant 1.000000e+00 : f32
    %sub3A_243 = vector.broadcast %sub3A_242 : f32 to vector<256x196xf32>
    %sub3A_244 = arith.subf %div3A_241, %sub3A_243 : vector<256x196xf32>
    %ge3A_245 = arith.constant 0.000000e+00 : f32
    %ge3A_246 = vector.broadcast %ge3A_245 : f32 to vector<256x196xf32>
    %ge3A_247 = arith.cmpf oge, %sub3A_244, %ge3A_246 : vector<256x196xf32>
    %convert_element_type3A_248 = arith.extui %ge3A_247 : vector<256x196xi1> to vector<256x196xi32>
    %convert_element_type3A_249 = arith.sitofp %convert_element_type3A_248 : vector<256x196xi32> to vector<256x196xf32>
    %convert_element_type3A_250 = arith.truncf %convert_element_type3A_249 : vector<256x196xf32> to vector<256x196xbf16>
    %get3A_251 = arith.index_cast %get3A_237 : i32 to index
    %get3A_252 = arith.constant 0 : index
    %get3A_253 = arith.constant 0 : index
    %get3A_254 = vector.load %arg5[%get3A_251, %get3A_252, %get3A_253] : memref<8x256x256xbf16, #tpu.memory_space<vmem>>, vector<1x256x256xbf16>
    %get3A_255 = vector.shape_cast %get3A_254 : vector<1x256x256xbf16> to vector<256x256xbf16>
    %dot_general3A_256 = arith.constant dense<0.000000e+00> : vector<256x196xf32>
    %dot_general3A_257 = tpu.matmul %get3A_255, %convert_element_type3A_250, %dot_general3A_256 {dimension_numbers = #tpu.dot_dimension_numbers<[1], [0], [0], [1], [0, 0, 1, 1], [], []>, transpose_lhs_hint = false} : vector<256x256xbf16>, vector<256x196xbf16>, vector<256x196xf32> -> vector<256x196xf32>
    %add3A_258 = arith.addf %get3A_231, %dot_general3A_257 : vector<256x196xf32>
    %div3A_259 = vector.broadcast %get3A_239 : f32 to vector<256x196xf32>
    %div3A_260 = arith.divf %add3A_258, %div3A_259 : vector<256x196xf32>
    %sub3A_261 = arith.constant 1.000000e+00 : f32
    %sub3A_262 = vector.broadcast %sub3A_261 : f32 to vector<256x196xf32>
    %sub3A_263 = arith.subf %div3A_260, %sub3A_262 : vector<256x196xf32>
    %ge3A_264 = arith.constant 0.000000e+00 : f32
    %ge3A_265 = vector.broadcast %ge3A_264 : f32 to vector<256x196xf32>
    %ge3A_266 = arith.cmpf oge, %sub3A_263, %ge3A_265 : vector<256x196xf32>
    %convert_element_type3A_267 = arith.extui %ge3A_266 : vector<256x196xi1> to vector<256x196xi32>
    %convert_element_type3A_268 = arith.sitofp %convert_element_type3A_267 : vector<256x196xi32> to vector<256x196xf32>
    %convert_element_type3A_269 = arith.truncf %convert_element_type3A_268 : vector<256x196xf32> to vector<256x196xbf16>
    %get3A_270 = arith.index_cast %get3A_237 : i32 to index
    %get3A_271 = arith.constant 0 : index
    %get3A_272 = arith.constant 0 : index
    %get3A_273 = vector.load %arg6[%get3A_270, %get3A_271, %get3A_272] : memref<8x256x256xbf16, #tpu.memory_space<vmem>>, vector<1x256x256xbf16>
    %get3A_274 = vector.shape_cast %get3A_273 : vector<1x256x256xbf16> to vector<256x256xbf16>
    %dot_general3A_275 = arith.constant dense<0.000000e+00> : vector<256x196xf32>
    %dot_general3A_276 = tpu.matmul %get3A_274, %convert_element_type3A_269, %dot_general3A_275 {dimension_numbers = #tpu.dot_dimension_numbers<[1], [0], [0], [1], [0, 0, 1, 1], [], []>, transpose_lhs_hint = false} : vector<256x256xbf16>, vector<256x196xbf16>, vector<256x196xf32> -> vector<256x196xf32>
    %get3A_277 = arith.constant 0 : index
    %get3A_278 = arith.constant 2 : index
    %get3A_279 = arith.index_cast %arg0 : i32 to index
    %get3A_280 = memref.load %arg2[%get3A_277, %get3A_278, %get3A_279] : memref<2x4x16xf32, #tpu.memory_space<smem>>
    %add3A_281 = arith.addf %dot_general3A_276, %add3A_258 : vector<256x196xf32>
    %mul3A_282 = vector.broadcast %get3A_280 : f32 to vector<256x196xf32>
    %mul3A_283 = arith.mulf %mul3A_282, %add3A_281 : vector<256x196xf32>
    %add3A_284 = arith.addf %broadcast_in_dim3A_233, %mul3A_283 : vector<256x196xf32>
    %get3A_285 = arith.constant 1 : index
    %get3A_286 = arith.constant 2 : index
    %get3A_287 = arith.index_cast %arg0 : i32 to index
    %get3A_288 = memref.load %arg1[%get3A_285, %get3A_286, %get3A_287] : memref<2x4x16xi32, #tpu.memory_space<smem>>
    %get3A_289 = arith.index_cast %get3A_288 : i32 to index
    %get3A_290 = memref.load %arg3[%get3A_289] : memref<8xf32, #tpu.memory_space<smem>>
    %div3A_291 = vector.broadcast %get3A_290 : f32 to vector<256x196xf32>
    %div3A_292 = arith.divf %get3A_231, %div3A_291 : vector<256x196xf32>
    %sub3A_293 = arith.constant 1.000000e+00 : f32
    %sub3A_294 = vector.broadcast %sub3A_293 : f32 to vector<256x196xf32>
    %sub3A_295 = arith.subf %div3A_292, %sub3A_294 : vector<256x196xf32>
    %ge3A_296 = arith.constant 0.000000e+00 : f32
    %ge3A_297 = vector.broadcast %ge3A_296 : f32 to vector<256x196xf32>
    %ge3A_298 = arith.cmpf oge, %sub3A_295, %ge3A_297 : vector<256x196xf32>
    %convert_element_type3A_299 = arith.extui %ge3A_298 : vector<256x196xi1> to vector<256x196xi32>
    %convert_element_type3A_300 = arith.sitofp %convert_element_type3A_299 : vector<256x196xi32> to vector<256x196xf32>
    %convert_element_type3A_301 = arith.truncf %convert_element_type3A_300 : vector<256x196xf32> to vector<256x196xbf16>
    %get3A_302 = arith.index_cast %get3A_288 : i32 to index
    %get3A_303 = arith.constant 0 : index
    %get3A_304 = arith.constant 0 : index
    %get3A_305 = vector.load %arg5[%get3A_302, %get3A_303, %get3A_304] : memref<8x256x256xbf16, #tpu.memory_space<vmem>>, vector<1x256x256xbf16>
    %get3A_306 = vector.shape_cast %get3A_305 : vector<1x256x256xbf16> to vector<256x256xbf16>
    %dot_general3A_307 = arith.constant dense<0.000000e+00> : vector<256x196xf32>
    %dot_general3A_308 = tpu.matmul %get3A_306, %convert_element_type3A_301, %dot_general3A_307 {dimension_numbers = #tpu.dot_dimension_numbers<[1], [0], [0], [1], [0, 0, 1, 1], [], []>, transpose_lhs_hint = false} : vector<256x256xbf16>, vector<256x196xbf16>, vector<256x196xf32> -> vector<256x196xf32>
    %add3A_309 = arith.addf %get3A_231, %dot_general3A_308 : vector<256x196xf32>
    %div3A_310 = vector.broadcast %get3A_290 : f32 to vector<256x196xf32>
    %div3A_311 = arith.divf %add3A_309, %div3A_310 : vector<256x196xf32>
    %sub3A_312 = arith.constant 1.000000e+00 : f32
    %sub3A_313 = vector.broadcast %sub3A_312 : f32 to vector<256x196xf32>
    %sub3A_314 = arith.subf %div3A_311, %sub3A_313 : vector<256x196xf32>
    %ge3A_315 = arith.constant 0.000000e+00 : f32
    %ge3A_316 = vector.broadcast %ge3A_315 : f32 to vector<256x196xf32>
    %ge3A_317 = arith.cmpf oge, %sub3A_314, %ge3A_316 : vector<256x196xf32>
    %convert_element_type3A_318 = arith.extui %ge3A_317 : vector<256x196xi1> to vector<256x196xi32>
    %convert_element_type3A_319 = arith.sitofp %convert_element_type3A_318 : vector<256x196xi32> to vector<256x196xf32>
    %convert_element_type3A_320 = arith.truncf %convert_element_type3A_319 : vector<256x196xf32> to vector<256x196xbf16>
    %get3A_321 = arith.index_cast %get3A_288 : i32 to index
    %get3A_322 = arith.constant 0 : index
    %get3A_323 = arith.constant 0 : index
    %get3A_324 = vector.load %arg6[%get3A_321, %get3A_322, %get3A_323] : memref<8x256x256xbf16, #tpu.memory_space<vmem>>, vector<1x256x256xbf16>
    %get3A_325 = vector.shape_cast %get3A_324 : vector<1x256x256xbf16> to vector<256x256xbf16>
    %dot_general3A_326 = arith.constant dense<0.000000e+00> : vector<256x196xf32>
    %dot_general3A_327 = tpu.matmul %get3A_325, %convert_element_type3A_320, %dot_general3A_326 {dimension_numbers = #tpu.dot_dimension_numbers<[1], [0], [0], [1], [0, 0, 1, 1], [], []>, transpose_lhs_hint = false} : vector<256x256xbf16>, vector<256x196xbf16>, vector<256x196xf32> -> vector<256x196xf32>
    %get3A_328 = arith.constant 1 : index
    %get3A_329 = arith.constant 2 : index
    %get3A_330 = arith.index_cast %arg0 : i32 to index
    %get3A_331 = memref.load %arg2[%get3A_328, %get3A_329, %get3A_330] : memref<2x4x16xf32, #tpu.memory_space<smem>>
    %add3A_332 = arith.addf %dot_general3A_327, %add3A_309 : vector<256x196xf32>
    %mul3A_333 = vector.broadcast %get3A_331 : f32 to vector<256x196xf32>
    %mul3A_334 = arith.mulf %mul3A_333, %add3A_332 : vector<256x196xf32>
    %add3A_335 = arith.addf %add3A_284, %mul3A_334 : vector<256x196xf32>
    %convert_element_type3A_336 = arith.truncf %add3A_335 : vector<256x196xf32> to vector<256x196xbf16>
    %swap3A_337 = arith.constant 2 : index
    %swap3A_338 = arith.constant 0 : index
    %swap3A_339 = arith.constant 0 : index
    %swap3A_340 = arith.constant 0 : index
    %swap3A_341 = vector.load %arg7[%swap3A_337, %swap3A_338, %swap3A_339, %swap3A_340] : memref<4x1x256x196xbf16, #tpu.memory_space<vmem>>, vector<1x1x256x196xbf16>
    %swap3A_342 = vector.shape_cast %swap3A_341 : vector<1x1x256x196xbf16> to vector<256x196xbf16>
    %swap3A_343 = vector.shape_cast %convert_element_type3A_336 : vector<256x196xbf16> to vector<1x1x256x196xbf16>
    tpu.vector_store %arg7[%swap3A_337, %swap3A_338, %swap3A_339, %swap3A_340], %swap3A_343 {strides = array<i32>} : memref<4x1x256x196xbf16, #tpu.memory_space<vmem>>, vector<1x1x256x196xbf16>,
    %get3A_344 = arith.constant 3 : index
    %get3A_345 = arith.constant 0 : index
    %get3A_346 = arith.constant 0 : index
    %get3A_347 = arith.constant 0 : index
    %get3A_348 = vector.load %arg4[%get3A_344, %get3A_345, %get3A_346, %get3A_347] : memref<4x1x256x196xf32, #tpu.memory_space<vmem>>, vector<1x1x256x196xf32>
    %get3A_349 = vector.shape_cast %get3A_348 : vector<1x1x256x196xf32> to vector<256x196xf32>
    %broadcast_in_dim3A_350 = arith.constant 0.000000e+00 : f32
    %broadcast_in_dim3A_351 = vector.broadcast %broadcast_in_dim3A_350 : f32 to vector<256x196xf32>
    %get3A_352 = arith.constant 0 : index
    %get3A_353 = arith.constant 3 : index
    %get3A_354 = arith.index_cast %arg0 : i32 to index
    %get3A_355 = memref.load %arg1[%get3A_352, %get3A_353, %get3A_354] : memref<2x4x16xi32, #tpu.memory_space<smem>>
    %get3A_356 = arith.index_cast %get3A_355 : i32 to index
    %get3A_357 = memref.load %arg3[%get3A_356] : memref<8xf32, #tpu.memory_space<smem>>
    %div3A_358 = vector.broadcast %get3A_357 : f32 to vector<256x196xf32>
    %div3A_359 = arith.divf %get3A_349, %div3A_358 : vector<256x196xf32>
    %sub3A_360 = arith.constant 1.000000e+00 : f32
    %sub3A_361 = vector.broadcast %sub3A_360 : f32 to vector<256x196xf32>
    %sub3A_362 = arith.subf %div3A_359, %sub3A_361 : vector<256x196xf32>
    %ge3A_363 = arith.constant 0.000000e+00 : f32
    %ge3A_364 = vector.broadcast %ge3A_363 : f32 to vector<256x196xf32>
    %ge3A_365 = arith.cmpf oge, %sub3A_362, %ge3A_364 : vector<256x196xf32>
    %convert_element_type3A_366 = arith.extui %ge3A_365 : vector<256x196xi1> to vector<256x196xi32>
    %convert_element_type3A_367 = arith.sitofp %convert_element_type3A_366 : vector<256x196xi32> to vector<256x196xf32>
    %convert_element_type3A_368 = arith.truncf %convert_element_type3A_367 : vector<256x196xf32> to vector<256x196xbf16>
    %get3A_369 = arith.index_cast %get3A_355 : i32 to index
    %get3A_370 = arith.constant 0 : index
    %get3A_371 = arith.constant 0 : index
    %get3A_372 = vector.load %arg5[%get3A_369, %get3A_370, %get3A_371] : memref<8x256x256xbf16, #tpu.memory_space<vmem>>, vector<1x256x256xbf16>
    %get3A_373 = vector.shape_cast %get3A_372 : vector<1x256x256xbf16> to vector<256x256xbf16>
    %dot_general3A_374 = arith.constant dense<0.000000e+00> : vector<256x196xf32>
    %dot_general3A_375 = tpu.matmul %get3A_373, %convert_element_type3A_368, %dot_general3A_374 {dimension_numbers = #tpu.dot_dimension_numbers<[1], [0], [0], [1], [0, 0, 1, 1], [], []>, transpose_lhs_hint = false} : vector<256x256xbf16>, vector<256x196xbf16>, vector<256x196xf32> -> vector<256x196xf32>
    %add3A_376 = arith.addf %get3A_349, %dot_general3A_375 : vector<256x196xf32>
    %div3A_377 = vector.broadcast %get3A_357 : f32 to vector<256x196xf32>
    %div3A_378 = arith.divf %add3A_376, %div3A_377 : vector<256x196xf32>
    %sub3A_379 = arith.constant 1.000000e+00 : f32
    %sub3A_380 = vector.broadcast %sub3A_379 : f32 to vector<256x196xf32>
    %sub3A_381 = arith.subf %div3A_378, %sub3A_380 : vector<256x196xf32>
    %ge3A_382 = arith.constant 0.000000e+00 : f32
    %ge3A_383 = vector.broadcast %ge3A_382 : f32 to vector<256x196xf32>
    %ge3A_384 = arith.cmpf oge, %sub3A_381, %ge3A_383 : vector<256x196xf32>
    %convert_element_type3A_385 = arith.extui %ge3A_384 : vector<256x196xi1> to vector<256x196xi32>
    %convert_element_type3A_386 = arith.sitofp %convert_element_type3A_385 : vector<256x196xi32> to vector<256x196xf32>
    %convert_element_type3A_387 = arith.truncf %convert_element_type3A_386 : vector<256x196xf32> to vector<256x196xbf16>
    %get3A_388 = arith.index_cast %get3A_355 : i32 to index
    %get3A_389 = arith.constant 0 : index
    %get3A_390 = arith.constant 0 : index
    %get3A_391 = vector.load %arg6[%get3A_388, %get3A_389, %get3A_390] : memref<8x256x256xbf16, #tpu.memory_space<vmem>>, vector<1x256x256xbf16>
    %get3A_392 = vector.shape_cast %get3A_391 : vector<1x256x256xbf16> to vector<256x256xbf16>
    %dot_general3A_393 = arith.constant dense<0.000000e+00> : vector<256x196xf32>
    %dot_general3A_394 = tpu.matmul %get3A_392, %convert_element_type3A_387, %dot_general3A_393 {dimension_numbers = #tpu.dot_dimension_numbers<[1], [0], [0], [1], [0, 0, 1, 1], [], []>, transpose_lhs_hint = false} : vector<256x256xbf16>, vector<256x196xbf16>, vector<256x196xf32> -> vector<256x196xf32>
    %get3A_395 = arith.constant 0 : index
    %get3A_396 = arith.constant 3 : index
    %get3A_397 = arith.index_cast %arg0 : i32 to index
    %get3A_398 = memref.load %arg2[%get3A_395, %get3A_396, %get3A_397] : memref<2x4x16xf32, #tpu.memory_space<smem>>
    %add3A_399 = arith.addf %dot_general3A_394, %add3A_376 : vector<256x196xf32>
    %mul3A_400 = vector.broadcast %get3A_398 : f32 to vector<256x196xf32>
    %mul3A_401 = arith.mulf %mul3A_400, %add3A_399 : vector<256x196xf32>
    %add3A_402 = arith.addf %broadcast_in_dim3A_351, %mul3A_401 : vector<256x196xf32>
    %get3A_403 = arith.constant 1 : index
    %get3A_404 = arith.constant 3 : index
    %get3A_405 = arith.index_cast %arg0 : i32 to index
    %get3A_406 = memref.load %arg1[%get3A_403, %get3A_404, %get3A_405] : memref<2x4x16xi32, #tpu.memory_space<smem>>
    %get3A_407 = arith.index_cast %get3A_406 : i32 to index
    %get3A_408 = memref.load %arg3[%get3A_407] : memref<8xf32, #tpu.memory_space<smem>>
    %div3A_409 = vector.broadcast %get3A_408 : f32 to vector<256x196xf32>
    %div3A_410 = arith.divf %get3A_349, %div3A_409 : vector<256x196xf32>
    %sub3A_411 = arith.constant 1.000000e+00 : f32
    %sub3A_412 = vector.broadcast %sub3A_411 : f32 to vector<256x196xf32>
    %sub3A_413 = arith.subf %div3A_410, %sub3A_412 : vector<256x196xf32>
    %ge3A_414 = arith.constant 0.000000e+00 : f32
    %ge3A_415 = vector.broadcast %ge3A_414 : f32 to vector<256x196xf32>
    %ge3A_416 = arith.cmpf oge, %sub3A_413, %ge3A_415 : vector<256x196xf32>
    %convert_element_type3A_417 = arith.extui %ge3A_416 : vector<256x196xi1> to vector<256x196xi32>
    %convert_element_type3A_418 = arith.sitofp %convert_element_type3A_417 : vector<256x196xi32> to vector<256x196xf32>
    %convert_element_type3A_419 = arith.truncf %convert_element_type3A_418 : vector<256x196xf32> to vector<256x196xbf16>
    %get3A_420 = arith.index_cast %get3A_406 : i32 to index
    %get3A_421 = arith.constant 0 : index
    %get3A_422 = arith.constant 0 : index
    %get3A_423 = vector.load %arg5[%get3A_420, %get3A_421, %get3A_422] : memref<8x256x256xbf16, #tpu.memory_space<vmem>>, vector<1x256x256xbf16>
    %get3A_424 = vector.shape_cast %get3A_423 : vector<1x256x256xbf16> to vector<256x256xbf16>
    %dot_general3A_425 = arith.constant dense<0.000000e+00> : vector<256x196xf32>
    %dot_general3A_426 = tpu.matmul %get3A_424, %convert_element_type3A_419, %dot_general3A_425 {dimension_numbers = #tpu.dot_dimension_numbers<[1], [0], [0], [1], [0, 0, 1, 1], [], []>, transpose_lhs_hint = false} : vector<256x256xbf16>, vector<256x196xbf16>, vector<256x196xf32> -> vector<256x196xf32>
    %add3A_427 = arith.addf %get3A_349, %dot_general3A_426 : vector<256x196xf32>
    %div3A_428 = vector.broadcast %get3A_408 : f32 to vector<256x196xf32>
    %div3A_429 = arith.divf %add3A_427, %div3A_428 : vector<256x196xf32>
    %sub3A_430 = arith.constant 1.000000e+00 : f32
    %sub3A_431 = vector.broadcast %sub3A_430 : f32 to vector<256x196xf32>
    %sub3A_432 = arith.subf %div3A_429, %sub3A_431 : vector<256x196xf32>
    %ge3A_433 = arith.constant 0.000000e+00 : f32
    %ge3A_434 = vector.broadcast %ge3A_433 : f32 to vector<256x196xf32>
    %ge3A_435 = arith.cmpf oge, %sub3A_432, %ge3A_434 : vector<256x196xf32>
    %convert_element_type3A_436 = arith.extui %ge3A_435 : vector<256x196xi1> to vector<256x196xi32>
    %convert_element_type3A_437 = arith.sitofp %convert_element_type3A_436 : vector<256x196xi32> to vector<256x196xf32>
    %convert_element_type3A_438 = arith.truncf %convert_element_type3A_437 : vector<256x196xf32> to vector<256x196xbf16>
    %get3A_439 = arith.index_cast %get3A_406 : i32 to index
    %get3A_440 = arith.constant 0 : index
    %get3A_441 = arith.constant 0 : index
    %get3A_442 = vector.load %arg6[%get3A_439, %get3A_440, %get3A_441] : memref<8x256x256xbf16, #tpu.memory_space<vmem>>, vector<1x256x256xbf16>
    %get3A_443 = vector.shape_cast %get3A_442 : vector<1x256x256xbf16> to vector<256x256xbf16>
    %dot_general3A_444 = arith.constant dense<0.000000e+00> : vector<256x196xf32>
    %dot_general3A_445 = tpu.matmul %get3A_443, %convert_element_type3A_438, %dot_general3A_444 {dimension_numbers = #tpu.dot_dimension_numbers<[1], [0], [0], [1], [0, 0, 1, 1], [], []>, transpose_lhs_hint = false} : vector<256x256xbf16>, vector<256x196xbf16>, vector<256x196xf32> -> vector<256x196xf32>
    %get3A_446 = arith.constant 1 : index
    %get3A_447 = arith.constant 3 : index
    %get3A_448 = arith.index_cast %arg0 : i32 to index
    %get3A_449 = memref.load %arg2[%get3A_446, %get3A_447, %get3A_448] : memref<2x4x16xf32, #tpu.memory_space<smem>>
    %add3A_450 = arith.addf %dot_general3A_445, %add3A_427 : vector<256x196xf32>
    %mul3A_451 = vector.broadcast %get3A_449 : f32 to vector<256x196xf32>
    %mul3A_452 = arith.mulf %mul3A_451, %add3A_450 : vector<256x196xf32>
    %add3A_453 = arith.addf %add3A_402, %mul3A_452 : vector<256x196xf32>
    %convert_element_type3A_454 = arith.truncf %add3A_453 : vector<256x196xf32> to vector<256x196xbf16>
    %swap3A_455 = arith.constant 3 : index
    %swap3A_456 = arith.constant 0 : index
    %swap3A_457 = arith.constant 0 : index
    %swap3A_458 = arith.constant 0 : index
    %swap3A_459 = vector.load %arg7[%swap3A_455, %swap3A_456, %swap3A_457, %swap3A_458] : memref<4x1x256x196xbf16, #tpu.memory_space<vmem>>, vector<1x1x256x196xbf16>
    %swap3A_460 = vector.shape_cast %swap3A_459 : vector<1x1x256x196xbf16> to vector<256x196xbf16>
    %swap3A_461 = vector.shape_cast %convert_element_type3A_454 : vector<256x196xbf16> to vector<1x1x256x196xbf16>
    tpu.vector_store %arg7[%swap3A_455, %swap3A_456, %swap3A_457, %swap3A_458], %swap3A_461 {strides = array<i32>} : memref<4x1x256x196xbf16, #tpu.memory_space<vmem>>, vector<1x1x256x196xbf16>,
    return
  }
  func.func @transform_0(%arg0: i32) -> (i32, i32, i32) {
    %c0_i32 = arith.constant 0 : i32
    %c0_i32_0 = arith.constant 0 : i32
    %c0_i32_1 = arith.constant 0 : i32
    %c0_i32_2 = arith.constant 0 : i32
    return %c0_i32, %c0_i32_0, %c0_i32_1 : i32, i32, i32
  }
  func.func @transform_1(%arg0: i32) -> (i32, i32, i32) {
    %c0_i32 = arith.constant 0 : i32
    %c0_i32_0 = arith.constant 0 : i32
    %c0_i32_1 = arith.constant 0 : i32
    %c0_i32_2 = arith.constant 0 : i32
    return %c0_i32, %c0_i32_0, %c0_i32_1 : i32, i32, i32
  }
  func.func @transform_2(%arg0: i32) -> i32 {
    %c0_i32 = arith.constant 0 : i32
    %c0_i32_0 = arith.constant 0 : i32
    return %c0_i32 : i32
  }
  func.func @transform_3(%arg0: i32) -> (i32, i32, i32, i32) {
    %c0_i32 = arith.constant 0 : i32
    %c0_i32_0 = arith.constant 0 : i32
    %c0_i32_1 = arith.constant 0 : i32
    %c0_i32_2 = arith.constant 0 : i32
    return %c0_i32, %arg0, %c0_i32_0, %c0_i32_1 : i32, i32, i32, i32
  }
  func.func @transform_4(%arg0: i32) -> (i32, i32, i32) {
    %c0_i32 = arith.constant 0 : i32
    %c0_i32_0 = arith.constant 0 : i32
    %c0_i32_1 = arith.constant 0 : i32
    %c0_i32_2 = arith.constant 0 : i32
    return %c0_i32, %c0_i32_0, %c0_i32_1 : i32, i32, i32
  }
  func.func @transform_5(%arg0: i32) -> (i32, i32, i32) {
    %c0_i32 = arith.constant 0 : i32
    %c0_i32_0 = arith.constant 0 : i32
    %c0_i32_1 = arith.constant 0 : i32
    %c0_i32_2 = arith.constant 0 : i32
    return %c0_i32, %c0_i32_0, %c0_i32_1 : i32, i32, i32
  }
  func.func @transform_6(%arg0: i32) -> (i32, i32, i32, i32) {
    %c0_i32 = arith.constant 0 : i32
    %c0_i32_0 = arith.constant 0 : i32
    %c0_i32_1 = arith.constant 0 : i32
    %c0_i32_2 = arith.constant 0 : i32
    return %c0_i32, %arg0, %c0_i32_0, %c0_i32_1 : i32, i32, i32, i32
  }
}

</mosaic_0001>

<sc_bundles>
// kernel: kernel.5.cloned.1.call-start
scs
__scs_entry_jumppad:
0x0: {  	(pc) =	sbr.rel $0x88, $3  }
0x1: {  	(tag) =	ssettag $0x0;
	lr =	simm.s32 $0x1  }
0x2: {  	[smem:$0x3F9D] =	sst lr;
	_ =	strace $0xD0000000  }
0x3: {  	_ = 	snop  }
0x4: {  	_ = 	snop  }
0x5: {  	_ = 	snop  }
0x6: {  	_ = 	snop  }
0x7: {  	_ = 	snop  }
__scs_overlays_trampoline_lowered:
0x8: {  	[smem:$0x3FAC] =	sst s0  }
0x9: {  	[smem:$0x3FAD] =	sst s1  }
0xa: {  	[smem:$0x3FAE] =	sst s2  }
0xb: {  	[smem:$0x3FAF] =	sst s3  }
0xc: {  	[smem:$0x3FB0] =	sst s4  }
0xd: {  	[smem:$0x3FB1] =	sst s5  }
0xe: {  	[smem:$0x3FB2] =	sst s6  }
0xf: {  	[smem:$0x3FB3] =	sst s7  }
0x10: {  	[smem:$0x3FB4] =	sst s8  }
0x11: {  	[smem:$0x3FB5] =	sst s9;
	s0 =	simm.s32 @!p0 $0x0  }
0x12: {  	s1 =	sld [smem:$0x3F9B];
	s0 =	simm.s32 @p0 $0x1  }
0x13: {  	[smem:$0x3FB6] =	sst s0;
	s0 =	simm.s32 @!p1 $0x0  }
0x14: {  	s2 =	sld [smem:$0x3F9A];
	s0 =	simm.s32 @p1 $0x1  }
0x15: {  	[smem:$0x3FB7] =	sst s0;
	s0 =	simm.s32 @!p2 $0x0  }
0x16: {  	s3 =	sld [smem:$0x3FDB];
	s0 =	simm.s32 @p2 $0x1  }
0x17: {  	s4 =	simm.s32 $0x1BF5;
	[smem:$0x3FB9] =	sst s0  }
0x18: {  	s0 =	sld [smem:$0x3F9C];
	_ =	swait.ge [sflag:s4], $0x0  }
0x19: {  	s7 =	sld [smem:$0x3F9D]  }
0x1a: {  	s8 =	sadd.s32 $0xFFFFE003, lr  }
0x1b: {  	s9 =	sadd.s32 $0xFFFFFEF7, lr;
	s5 =	simm.s32 $0xFFFFFFFF;
	p2 =	slt.u32 s8, $0xFFFFF086  }
0x1c: {  	p1 =	slt.u32 s9, $0xF7A;
	s5 =	simm.s32 @!p2 $0x0  }
0x1d: {  	s5 =	simm.s32 @p1 $0x1;
	p0 =	seq.s32 s7, s2  }
0x1e: {  	s7 =	smul.u32 @!p0 $0xF7A, s2;
	p2 =	seq.s32 @!p0 s5, $0x0  }
0x1f: {  	s9 =	smul.u32 $0xF7A, s1;
	s8 =	simm.s32 @!p0 $0x1BF5;
	p2 =	por !p2, p0  }
0x20: {  	[sflag:s8] =	ssyncset.s32 @!p0 $0xFFFFF086;
	s6 =	sadd.s32 @!p0 s3, s7;
	s7 =	simm.s32 @!p0 $0x108  }
0x21: {  	s3 =	sadd.s32 s3, s9;
	s6 =	sadd.s32 @!p0 $0x88, s6;
	s7 =	simm.s32 @p2 $0x1082  }
0x22: {  	[simem:s7], [sflag:s8] =	dma.local @!p0 [hbm:s6], $0xF7A  }
0x23: {  	s9 =	sor.u32 $0xD0000000, s2;
	s6 =	simm.s32 $0x108;
	_ =	swait.ge @!p0 [sflag:s8], $0x0  }
0x24: {  	s3 =	sadd.s32 $0x88, s3;
	s6 =	simm.s32 @!p1 $0x1082;
	[sflag:s4] =	ssyncset.s32 $0xFFFFF086  }
0x25: {  	[simem:s6], [sflag:s4] =	dma.local [hbm:s3], $0xF7A  }
0x26: {  	[smem:$0x3F9D] =	sst s1;
	(tag) =	ssettag s2;
	_ =	strace s9  }
0x27: {  	s1 =	sld [smem:$0x3FAD]  }
0x28: {  	s2 =	sld [smem:$0x3FAE]  }
0x29: {  	s4 =	sld [smem:$0x3FB0]  }
0x2a: {  	p0 =	seq.s32 s5, $0x0;
	s5 =	sld [smem:$0x3FB1]  }
0x2b: {  	s6 =	sld [smem:$0x3FB2]  }
0x2c: {  	s7 =	sld [smem:$0x3FB3]  }
0x2d: {  	s3 =	simm.s32 $0x108;
	s8 =	sld [smem:$0x3FB4]  }
0x2e: {  	s3 =	simm.s32 @!p0 $0x1082;
	s9 =	sld [smem:$0x3FB5]  }
0x2f: {  	lr =	sadd.s32 s0, s3;
	s0 =	sld [smem:$0x3FAC]  }
0x30: {  	s3 =	sld [smem:$0x3FAF]  }
0x31: {  	[smem:$0x3FB8] =	sst s10  }
0x32: {  	s10 =	sld [smem:$0x3FB6];
	_ =	sdelay $0x3  }
0x33: {  	p0 =	seq.s32 s10, $0x1;
	s10 =	sld [smem:$0x3FB8];
	_ =	sdelay $0x3  }
0x34: {  	[smem:$0x3FB8] =	sst s10  }
0x35: {  	s10 =	sld [smem:$0x3FB7];
	_ =	sdelay $0x3  }
0x36: {  	p1 =	seq.s32 s10, $0x1;
	s10 =	sld [smem:$0x3FB8];
	_ =	sdelay $0x3  }
0x37: {  	[smem:$0x3FB8] =	sst s10  }
0x38: {  	s10 =	sld [smem:$0x3FB9]  }
0x39: {  	_ = 	snop;
	(pc) =	sbr.ind lr, $3  }
0x3a: {  	_ = 	snop  }
0x3b: {  	_ = 	snop  }
0x3c: {  	p2 =	seq.s32 s10, $0x1;
	s10 =	sld [smem:$0x3FB8]  }
0x3d: {  	_ =	shalt  }
0x3e: {  	_ =	shalt  }
0x3f: {  	_ =	shalt  }
0x40: {  	_ =	shalt  }
0x41: {  	_ =	shalt  }
0x42: {  	_ =	shalt  }
0x43: {  	_ =	shalt  }
0x44: {  	_ =	shalt  }
0x45: {  	_ =	shalt  }
0x46: {  	_ =	shalt  }
0x47: {  	_ =	shalt  }
0x48: {  	_ =	shalt  }
0x49: {  	_ =	shalt  }
0x4a: {  	_ =	shalt  }
0x4b: {  	_ =	shalt  }
0x4c: {  	_ =	shalt  }
0x4d: {  	_ =	shalt  }
0x4e: {  	_ =	shalt  }
0x4f: {  	_ =	shalt  }
0x50: {  	_ =	shalt  }
0x51: {  	_ =	shalt  }
0x52: {  	_ =	shalt  }
0x53: {  	_ =	shalt  }
0x54: {  	_ =	shalt  }
0x55: {  	_ =	shalt  }
0x56: {  	_ =	shalt  }
0x57: {  	_ =	shalt  }
0x58: {  	_ =	shalt  }
0x59: {  	_ =	shalt  }
0x5a: {  	_ =	shalt  }
0x5b: {  	_ =	shalt  }
0x5c: {  	_ =	shalt  }
0x5d: {  	_ =	shalt  }
0x5e: {  	_ =	shalt  }
0x5f: {  	_ =	shalt  }
0x60: {  	_ =	shalt  }
0x61: {  	_ =	shalt  }
0x62: {  	_ =	shalt  }
0x63: {  	_ =	shalt  }
0x64: {  	_ =	shalt  }
0x65: {  	_ =	shalt  }
0x66: {  	_ =	shalt  }
0x67: {  	_ =	shalt  }
0x68: {  	_ =	shalt  }
0x69: {  	_ =	shalt  }
0x6a: {  	_ =	shalt  }
0x6b: {  	_ =	shalt  }
0x6c: {  	_ =	shalt  }
0x6d: {  	_ =	shalt  }
0x6e: {  	_ =	shalt  }
0x6f: {  	_ =	shalt  }
0x70: {  	_ =	shalt  }
0x71: {  	_ =	shalt  }
0x72: {  	_ =	shalt  }
0x73: {  	_ =	shalt  }
0x74: {  	_ =	shalt  }
0x75: {  	_ =	shalt  }
0x76: {  	_ =	shalt  }
0x77: {  	_ =	shalt  }
0x78: {  	_ =	shalt  }
0x79: {  	_ =	shalt  }
0x7a: {  	_ =	shalt  }
0x7b: {  	_ =	shalt  }
0x7c: {  	_ =	shalt  }
0x7d: {  	_ =	shalt  }
0x7e: {  	_ =	shalt  }
0x7f: {  	_ =	shalt  }
0x80: {  	_ =	shalt  }
0x81: {  	_ =	shalt  }
0x82: {  	_ =	shalt  }
0x83: {  	_ =	shalt  }
0x84: {  	_ =	shalt  }
0x85: {  	_ =	shalt  }
0x86: {  	_ =	shalt  }
0x87: {  	_ =	shalt  }
.Lfunc_end0:
.L_simem_size_0:
called_computation_lowered:
.L_overlay_start_0:
0x88: {  	s2 =	sld [smem:$0x3FD9]  }
0x89: {  	s3 =	sld [smem:$0x3FFE];
	_ =	sdelay $0x1  }
0x8a: {  	s1 =	srdreg.scid  }
0x8b: {  	s0 =	sand.u32 $0x1, s1  }
0x8c: {  	s17 =	sshll.u32 s0, $0xA;
	s2 =	sadd.s32 s3, s2  }
0x8d: {  	s2 =	sadd.s32 s2, s17  }
0x8e: {  	[smem:$0x3FC4] =	sst s2  }
0x8f: {  	_ = 	snop  }
0x90: {  	s2 =	sld [smem:$0x3FD0];
	(tm) =	ssettm $0x1  }
0x91: {  	s18 =	sld [smem:$0x3FFB];
	_ =	sdelay $0x3  }
0x92: {  	_ =	strace s18  }
0x93: {  	s3 =	sld [smem:$0x3FFC];
	_ =	sdelay $0x3  }
0x94: {  	_ =	strace s3  }
0x95: {  	s3 =	sld [smem:$0x3FFD];
	_ =	sdelay $0x3  }
0x96: {  	_ =	strace s3  }
0x97: {  	_ =	strace $0x8FFFFFFF  }
0x98: {  	s19 =	sld [smem:$0x3FDB];
	_ =	sdelay $0x1  }
0x99: {  	s4 =	simm.s32 $_scs_section_size  }
0x9a: {  	s5 =	simm.s32 $_size__tile_overlayer_lowered;
	s6 =	simm.s32 $_tile_overlayer_lowered  }
0x9b: {  	s22 =	simm.s32 $0x1BFF;
	s21 =	sshll.u32 s6, $0x1;
	s3 =	sadd.s32 s4, s19  }
0x9c: {  	s7 =	simm.s32 $0x0;
	s20 =	sshll.u32 s5, $0x1;
	s5 =	sadd.s32 s21, s3  }
0x9d: {  	[timem:s7], [sflag:s22] =	dma.local [hbm:s5], s20  }
0x9e: {  	_ =	swait.ge [sflag:s22], s20  }
0x9f: {  	s4 =	ssub.s32 $0x0, s20;
	[sflag:s22] =	ssyncset.done $0x0  }
0xa0: {  	[sflag:s22] =	ssyncadd.s32 s4;
	_ =	sdelay $0x1  }
0xa1: {  	s23 =	simm.s32 $0x1B8B  }
0xa2: {  	_ =	swait.ge [sflag:s23], $0x1  }
0xa3: {  	[sflag:s23] =	ssyncset.done $0x0  }
0xa4: {  	s25 =	simm.s32 $0x1B8E;
	s24 =	sld [smem:$0x3FFE];
	[sflag:s23] =	ssyncadd.s32 $0xFFFFFFFF  }
0xa5: {  	s26 =	simm.s32 $execute0_lowered;
	[smem:$0x3FD2] =	sst s25  }
0xa6: {  	s5 =	sshll.u32 s26, $0x1;
	_ =	strace $0x80000046;
	[dreg:$0x1] =	wrdreg $0xFFFFFFFF  }
0xa7: {  	s28 =	simm.s32 $_size_execute0_lowered;
	s3 =	sadd.s32 s3, s5;
	[dreg:$0x0] =	wrdreg $0x0  }
0xa8: {  	s5 =	sshll.u32 s28, $0x1;
	[dreg:$0x2] =	wrdreg s3  }
0xa9: {  	[dreg:$0x3] =	wrdreg s5  }
0xaa: {  	[dreg:$0x4] =	wrdreg $0xC0  }
0xab: {  	_ =	task [dreg:s7], $0x5FFFF  }
0xac: {  	[dreg:$0x1] =	wrdreg $0xFFFFFFFF  }
0xad: {  	[dreg:$0x0] =	wrdreg $0x60  }
0xae: {  	[dreg:$0x2] =	wrdreg s24  }
0xaf: {  	[dreg:$0x3] =	wrdreg s2  }
0xb0: {  	[dreg:$0x4] =	wrdreg $0x9  }
0xb1: {  	_ =	task.clear_ibuf [dreg:s7], $0x5FFFF;
	_ =	strace $0x90000046  }
0xb2: {  	s29 =	simm.s32 $0x9;
	_ =	strace $0x80000048  }
0xb3: {  	_ =	swait.ge [sflag:s29], $0x1  }
0xb4: {  	[sflag:s29] =	ssyncadd.s32 $0xFFFFFFFF  }
0xb5: {  	_ =	strace $0x90000048  }
0xb6: {  	_ =	sfence  }
0xb7: {  	s30 =	sld [smem:$0x0];
	_ =	sdelay $0x2  }
0xb8: {  	s31 =	sshll.u32 s1, $0xD;
	s1 =	sshrl.u32 s1, $0x2  }
0xb9: {  	s3 =	sand.u32 $0x4000, s31;
	s1 =	sadd.s32 s1, s30  }
0xba: {  	s0 =	sor.u32 s3, s0;
	s1 =	sshll.u32 s1, $0x11  }
0xbb: {  	s0 =	sor.u32 s1, s0  }
0xbc: {  	s0 =	sadd.s32 $0x8F2B, s0  }
0xbd: {  	[sflag:s0] =	ssyncadd.remote.s32 $0x1  }
0xbe: {  	_ =	sfence.sel $0xFFFF  }
0xbf: {  	[dreg:$0x0] =	wrdreg $0xFFFFFFFF;
	(pc) =	sbr.abs _section_cstart, $3  }
0xc0: {  	[dreg:$0x1] =	wrdreg $0xFFFFFFFF  }
0xc1: {  	_ =	task.clear_ibuf [dreg:s7], $0x2FFFF;
	_ =	strace $0x9FFFFFFF  }
0xc2: {  	(tm) =	ssettm $0x7FFFFFFF  }
0xc3: {  	_ =	shalt  }
tec
execute0_lowered:
.L_overlay_start_1:
0x0: {  	(tag) =	ssettag $0x1  }
0x1: {  	s1 =	srdreg.scid;
	s0 =	stileid.u32  }
0x2: {  	s3 =	sand.u32 $0x1, s1;
	s5 =	ssub.s32 $0x0, s0  }
0x3: {  	p0 =	sne.s32 s3, s5  }
.Ltmp0:
0x4: {  	_ = 	snop;
	(pc) =	sbr.rel @p0 .LBB2_3-.Ltmp0, $4  }
0x5: {  	_ = 	snop  }
0x6: {  	s4 =	rddreg [dreg:$0x0]  }
0x7: {  	s2 =	rddreg [dreg:$0x1]  }
0x8: {  	s1 =	rddreg [dreg:$0x2];
	_ =	strace $0x80000047  }
0x9: {  	s5 =	ssub.s32 $0x2, s3  }
0xa: {  	s3 =	sadd.s32 $0x81400, s4;
	s4 =	sadd.s32 $0x81600, s4;
	s6 =	sshrl.u32 s5, $0x1  }
0xb: {  	s7 =	simm.s32 $0x1;
	s8 =	simm.s32 $0x200;
	s5 =	ssub.s32 s5, s6  }
0xc: {  	v0 =	vimm.s32 $0x0;
	s9 =	simm.s32 $0x600;
	s6 =	simm.s32 $0x0;
	s5 =	smax.u32 s5, $0x1  }
.LBB2_2:
0xd: {  	[tilespmem:s6], [sflag:$0x1] =	stream.linear.gather [hbm4b:s3+s6], $0x200, $0x38;
	[tilespmem:$0xA00] =	vst v63  }
0xe: {  	_ =	swait.ge [sflag:s7], $0x200  }
0xf: {  	v17 =	vimm.s32 $0x0;
	v10 =	vimm.s32 $0x0;
	[sflag:s7] =	ssyncset.done $0x0  }
0x10: {  	v11 =	vimm.s32 $0x0;
	v20 =	vimm.s32 $0x0;
	v12 =	vimm.s32 $0x0;
	[sflag:s7] =	ssyncadd.s32 $0xFFFFFE00  }
0x11: {  	v22 =	vimm.s32 $0x0;
	v23 =	vimm.s32 $0x0;
	v24 =	vimm.s32 $0x0;
	v1 =	vld [tilespmem:$0x0]  }
0x12: {  	v26 =	vimm.s32 $0x0;
	v28 =	vimm.s32 $0x0;
	v31 =	vimm.s32 $0x0;
	v2 =	vld [tilespmem:$0x10]  }
0x13: {  	v33 =	vimm.s32 $0x0;
	v35 =	vimm.s32 $0x0;
	v37 =	vimm.s32 $0x0;
	v6 =	vld [tilespmem:$0x80]  }
0x14: {  	v38 =	vimm.s32 $0x0;
	v39 =	vimm.s32 $0x0;
	v13 =	vimm.s32 $0x0;
	v16 =	vld [tilespmem:$0x90]  }
0x15: {  	v42 =	vimm.s32 $0x0;
	v44 =	vimm.s32 $0x0;
	v45 =	vimm.s32 $0x0  }
0x16: {  	v47 =	vimm.s32 $0x0;
	v48 =	vimm.s32 $0x0;
	v51 =	vimm.s32 $0x0  }
0x17: {  	v55 =	vimm.s32 $0x0;
	v58 =	vimm.s32 $0x0;
	v59 =	vimm.s32 $0x0  }
0x18: {  	v60 =	vimm.s32 $0x0;
	v3 =	vld [tilespmem:$0x20];
	vm0 =	vgt.f32 v1, $-1.000000020e+30;
	vm8 =	vgt.f32 v2, $-1.000000020e+30  }
0x19: {  	vm10 =	vgt.f32 v6, $-1.000000020e+30;
	vm12 =	vgt.f32 v16, $-1.000000020e+30;
	v1 =	vnsel vm0, $0xF149F2CA, v1  }
0x1a: {  	v5 =	vld [tilespmem:$0x30];
	v4 =	vnsel vm8, $0xF149F2CA, v2;
	v6 =	vnsel vm10, $0xF149F2CA, v6;
	vm2 =	vgt.f32 v2, v1  }
0x1b: {  	v50 =	vld [tilespmem:$0x180];
	vm3 =	vmneg vm2;
	v8 =	vsel vm2, $0x1, v0;
	vm2 =	vgt.f32 v16, v6  }
0x1c: {  	v4 =	vsel vm3, v4, v1;
	v1 =	vsel vm3, v1, v2;
	vm3 =	vmand vm8, vm3  }
0x1d: {  	v11 =	vsel vm2, $0xFFFFFFFF, v11;
	vm13 =	vmneg vm2;
	vm4 =	vgt.f32 v3, v4  }
0x1e: {  	v15 =	vld [tilespmem:$0x40];
	vm5 =	vgt.f32 v3, v1;
	v7 =	vsel vm3, $0x1, v0;
	v2 =	vsel vm4, v3, v4  }
0x1f: {  	[tilespmem:$0x1FE00] =	vst v11;
	v11 =	vsel vm12, $0xFFFFFFFF, v20;
	v7 =	vsel vm4, $0x2, v7;
	v2 =	vsel vm5, v1, v2  }
0x20: {  	v18 =	vld [tilespmem:$0xA0];
	vm4 =	vgt.f32 v50, $-1.000000020e+30;
	v1 =	vsel vm5, v3, v1;
	vm1 =	vgt.f32 v5, v2  }
0x21: {  	v3 =	vld [tilespmem:$0x50];
	v7 =	vsel vm5, v8, v7;
	vm0 =	vgt.f32 v5, v1;
	v2 =	vsel vm1, v5, v2  }
0x22: {  	v8 =	vsel vm5, $0x2, v8;
	v56 =	vnsel vm4, $0xF149F2CA, v50;
	v2 =	vsel vm0, v1, v2  }
0x23: {  	v7 =	vsel vm1, $0x3, v7;
	v1 =	vsel vm0, v5, v1;
	vm6 =	vgt.f32 v15, v2  }
0x24: {  	v9 =	vld [tilespmem:$0x60];
	v5 =	vsel vm13, v6, v16;
	vm15 =	vgt.f32 v15, v1;
	v2 =	vsel vm6, v15, v2  }
0x25: {  	v7 =	vsel vm0, v8, v7;
	v8 =	vsel vm0, $0x3, v8;
	v2 =	vsel vm15, v1, v2  }
0x26: {  	vm10 =	vgt.f32 v18, v5;
	v1 =	vsel vm15, v15, v1;
	vm9 =	vgt.f32 v3, v2  }
0x27: {  	v7 =	vsel vm6, $0x4, v7;
	vm11 =	vgt.f32 v3, v1;
	v2 =	vsel vm9, v3, v2  }
0x28: {  	v19 =	vld [tilespmem:$0x70];
	v4 =	vsel vm9, $0xFFFFFFFF, v17;
	v2 =	vsel vm11, v1, v2;
	v1 =	vsel vm11, v3, v1  }
0x29: {  	v29 =	vld [tilespmem:$0x100];
	v10 =	vsel vm11, $0xFFFFFFFF, v10;
	v3 =	vnsel vm12, $0xF149F2CA, v16;
	vm14 =	vgt.f32 v9, v1  }
0x2a: {  	vm8 =	vgt.f32 v9, v2;
	v3 =	vsel vm13, v3, v6;
	v12 =	vsel vm14, $0xFFFFFFFF, v12  }
0x2b: {  	v2 =	vsel vm8, v9, v2;
	vm9 =	vgt.f32 v18, v3;
	v25 =	vsel vm14, v9, v1  }
0x2c: {  	v21 =	vld [tilespmem:$0xB0];
	v9 =	vsel vm10, $0xFFFFFFFF, v26;
	[tilespmem:$0x1FE60] =	vst v12;
	v12 =	vsel vm8, $0xFFFFFFFF, v22;
	v6 =	vsel vm9, $0xFFFFFFFF, v24  }
0x2d: {  	[tilespmem:$0x1FDB0] =	vst v4;
	v3 =	vsel vm9, v18, v3;
	v1 =	vsel vm14, v1, v2;
	vm11 =	vgt.f32 v19, v25  }
0x2e: {  	v32 =	vld [tilespmem:$0x110];
	v2 =	vimm.s32 $0x0;
	vm9 =	vgt.f32 v29, $-1.000000020e+30;
	[tilespmem:$0x1FDF0] =	vst v12;
	v12 =	vsel vm13, $0xFFFFFFFF, v23  }
0x2f: {  	[tilespmem:$0x1FE10] =	vst v6;
	v2 =	vsel vm11, $0xFFFFFFFF, v2;
	vm12 =	vgt.f32 v19, v1;
	v6 =	vsel vm11, v19, v25  }
0x30: {  	[tilespmem:$0x1FF30] =	vst v2;
	v2 =	vsel vm10, v5, v3;
	v3 =	vimm.s32 $0x0;
	v1 =	vsel vm12, v19, v1  }
0x31: {  	v27 =	vld [tilespmem:$0xC0];
	[tilespmem:$0x1FDE0] =	vst v12;
	v12 =	vimm.s32 $0x0;
	v3 =	vsel vm12, $0xFFFFFFFF, v3;
	vm13 =	vgt.f32 v21, v2  }
0x32: {  	v1 =	vsel vm11, v25, v1;
	[tilespmem:$0x1FE90] =	vst v3;
	v3 =	vsel vm10, v18, v5;
	v4 =	vsel vm13, $0xFFFFFFFF, v28  }
0x33: {  	v2 =	vsel vm13, v21, v2;
	v1 =	vsub.f32 v1, v6;
	vm13 =	vgt.f32 v32, $-1.000000020e+30  }
0x34: {  	[tilespmem:$0x1FE30] =	vst v4;
	vm14 =	vgt.f32 v21, v3;
	v4 =	vnsel vm9, $0xF149F2CA, v29;
	v40 =	vnsel vm13, $0xF149F2CA, v32  }
0x35: {  	v36 =	vld [tilespmem:$0x120];
	[tilespmem:$0x1FDC0] =	vst v10;
	v10 =	vsel vm14, $0xFFFFFFFF, v31;
	v2 =	vsel vm14, v3, v2;
	v3 =	vsel vm14, v21, v3  }
0x36: {  	v30 =	vld [tilespmem:$0xD0];
	v1 =	vmul.f32 $1.442695020e+00, v1;
	vm12 =	vgt.f32 v32, v4;
	vm7 =	vgt.f32 v27, v2  }
0x37: {  	[tilespmem:$0x1FE40] =	vst v10;
	vm8 =	vgt.f32 v27, v3;
	vm2 =	vmneg vm12;
	v10 =	vsel vm7, $0xFFFFFFFF, v33  }
0x38: {  	[tilespmem:$0x1FDD0] =	vst v11;
	v2 =	vsel vm7, v27, v2;
	v11 =	vsel vm8, $0xFFFFFFFF, v35;
	(erf) = vpow2.f32 v1  }
0x39: {  	v34 =	vld [tilespmem:$0xE0];
	v5 =	vsel vm2, $0xFFFFFFFF, v42;
	v43 =	vsel vm2, v40, v4;
	v4 =	vsel vm2, v4, v32  }
0x3a: {  	v2 =	vsel vm8, v3, v2;
	v3 =	vsel vm8, v27, v3;
	vm7 =	vgt.f32 v36, v43  }
0x3b: {  	[tilespmem:$0x1FEB0] =	vst v5;
	vm10 =	vgt.f32 v30, v2;
	vm11 =	vgt.f32 v30, v3;
	v5 =	vsel vm7, v36, v43  }
0x3c: {  	v41 =	vld [tilespmem:$0x130];
	[tilespmem:$0x1FE70] =	vst v11;
	v11 =	vsel vm10, $0xFFFFFFFF, v37;
	v1 =	vsel vm10, v30, v2;
	v2 =	vimm.s32 $0x0  }
0x3d: {  	v54 =	vld [tilespmem:$0x190];
	[tilespmem:$0x1FE80] =	vst v11;
	v2 =	vsel vm11, $0xFFFFFFFF, v2;
	v1 =	vsel vm11, v3, v1;
	v3 =	vsel vm11, v30, v3  }
0x3e: {  	v11 =	vsel vm12, $0xFFFFFFFF, v38;
	[tilespmem:$0x1FEC0] =	vst v2;
	v2 =	vld [tilespmem:$0xF0];
	vm14 =	vgt.f32 v34, v1;
	vm1 =	vgt.f32 v34, v3  }
0x3f: {  	[tilespmem:$0x1FEE0] =	vst v11;
	v11 =	vsel vm13, $0xFFFFFFFF, v39;
	v13 =	vsel vm14, $0xFFFFFFFF, v13;
	v6 =	vsel vm1, $0xFFFFFFFF, v44  }
0x40: {  	v46 =	vld [tilespmem:$0x140];
	v1 =	vsel vm14, v34, v1;
	vm14 =	vgt.f32 v36, v4;
	[tilespmem:$0x1FF00] =	vst v6;
	v6 =	vsel vm7, $0xFFFFFFFF, v45  }
0x41: {  	v1 =	vsel vm1, v3, v1;
	v3 =	vsel vm1, v34, v3;
	v5 =	vsel vm14, v4, v5  }
0x42: {  	v4 =	vsel vm14, v36, v4;
	vm7 =	vgt.f32 v54, v56;
	vm9 =	vgt.f32 v41, v5  }
0x43: {  	vm13 =	vgt.f32 v41, v4;
	v5 =	vsel vm9, v41, v5;
	vm8 =	vgt.f32 v2, v1  }
0x44: {  	v49 =	vld [tilespmem:$0x150];
	[tilespmem:$0x1FE50] =	vst v10;
	vm12 =	vgt.f32 v2, v3;
	v5 =	vsel vm13, v4, v5;
	v10 =	vsel vm8, $0xFFFFFFFF, v47  }
0x45: {  	v1 =	vsel vm8, v2, v1;
	v2 =	vsel vm12, v2, v3;
	vm10 =	vgt.f32 v46, v5  }
0x46: {  	v1 =	vsel vm12, v3, v1;
	v3 =	vsel vm13, v41, v4;
	v4 =	vsel vm10, $0xFFFFFFFF, v51  }
0x47: {  	v53 =	vld [tilespmem:$0x160];
	[tilespmem:$0x1FE20] =	vst v9;
	v52 =	vpop (erf);
	v1 =	vsub.f32 v1, v2;
	v2 =	vsel vm10, v46, v5;
	vm8 =	vgt.f32 v46, v3  }
0x48: {  	v9 =	vsel vm9, $0xFFFFFFFF, v48;
	[tilespmem:$0x1FF40] =	vst v4;
	v4 =	vadd.f32 $1.000000000e+00, v52;
	v2 =	vsel vm8, v3, v2  }
0x49: {  	v3 =	vsel vm8, v46, v3;
	v1 =	vmul.f32 $1.442695020e+00, v1;
	vm11 =	vgt.f32 v49, v2  }
0x4a: {  	vm10 =	vgt.f32 v49, v3;
	(erf) = vrcp.f32 v4;
	v2 =	vsel vm11, v49, v2  }
0x4b: {  	v2 =	vsel vm10, v3, v2;
	(erf) = vpow2.f32 v1;
	v1 =	vsel vm10, v49, v3;
	v3 =	vld [tilespmem:$0x170]  }
0x4c: {  	v57 =	vld [tilespmem:$0x1A0];
	[tilespmem:$0x1FEF0] =	vst v6;
	v6 =	vsel vm11, $0xFFFFFFFF, v55;
	vm11 =	vgt.f32 v54, $-1.000000020e+30;
	vm5 =	vgt.f32 v53, v2  }
0x4d: {  	[tilespmem:$0x1FF20] =	vst v9;
	vm9 =	vgt.f32 v53, v1;
	v9 =	vsel vm5, $0xFFFFFFFF, v58;
	v2 =	vsel vm5, v53, v2  }
0x4e: {  	v61 =	vnsel vm11, $0xF149F2CA, v54;
	[tilespmem:$0x1FFA0] =	vst v9;
	v9 =	vsel vm7, $0xFFFFFFFF, v59;
	v2 =	vsel vm9, v1, v2  }
0x4f: {  	v62 =	vld [tilespmem:$0x1B0];
	v1 =	vsel vm9, v53, v1;
	[tilespmem:$0x1FF70] =	vst v9;
	v9 =	vsel vm11, $0xFFFFFFFF, v60;
	vm11 =	vmneg vm7  }
0x50: {  	[tilespmem:$0x1FF50] =	vst v9;
	v9 =	vsel vm11, v61, v56;
	v63 =	vsel vm11, v56, v54;
	vm0 =	vgt.f32 v3, v2  }
0x51: {  	[tilespmem:$0x1FED0] =	vst v13;
	vm7 =	vgt.f32 v3, v1;
	vm4 =	vgt.f32 v57, v9;
	vm6 =	vgt.f32 v57, v63  }
0x52: {  	v14 =	vld [tilespmem:$0x1C0];
	[tilespmem:$0x1FF60] =	vst v6;
	v2 =	vsel vm0, v3, v2;
	v6 =	vsel vm4, $0xFFFFFFFF, v12;
	v13 =	vsel vm4, v57, v9  }
0x53: {  	v16 =	vimm.s32 $0x0;
	v2 =	vsel vm7, v1, v2;
	[tilespmem:$0x1FF80] =	vst v6;
	v6 =	vsel vm6, v63, v13  }
0x54: {  	v4 =	vsel vm6, v57, v63;
	v1 =	vsel vm7, v3, v1;
	vm5 =	vgt.f32 v62, v6  }
0x55: {  	v18 =	vld [tilespmem:$0x1D0];
	v17 =	vpop (erf);
	v5 =	vsel vm5, $0xFFFFFFFF, v16;
	v3 =	vsel vm5, v62, v6;
	vm5 =	vgt.f32 v62, v4  }
0x56: {  	v20 =	vimm.s32 $0x0;
	v1 =	vsub.f32 v2, v1;
	v19 =	vpop (erf);
	v2 =	vsel vm5, v4, v3  }
0x57: {  	v3 =	vadd.f32 $1.000000000e+00, v19;
	v4 =	vsel vm5, v62, v4;
	vm4 =	vgt.f32 v14, v2  }
0x58: {  	[tilespmem:$0x1FF10] =	vst v10;
	v10 =	vsel vm4, $0xFFFFFFFF, v20;
	v2 =	vsel vm4, v14, v2;
	vm4 =	vgt.f32 v14, v4  }
0x59: {  	v2 =	vsel vm4, v4, v2  }
0x5a: {  	(erf) = vrcp.f32 v3;
	v3 =	vimm.s32 $0x0;
	vm1 =	vgt.f32 v18, v2  }
0x5b: {  	v23 =	vld [tilespmem:$0x1FDC0];
	v3 =	vsel vm1, $0xFFFFFFFF, v3  }
0x5c: {  	[tilespmem:$0x1FFD0] =	vst v3;
	v3 =	vld [tilespmem:$0x1FDB0];
	_ =	sdelay $0x1  }
0x5d: {  	v15 =	vimm.s32 $0x0;
	v26 =	vld [tilespmem:$0x1FDE0]  }
0x5e: {  	v7 =	vsel vm15, v8, v7;
	v8 =	vsel vm15, $0x4, v8;
	v21 =	vld [tilespmem:$0x1E0];
	v1 =	vmul.f32 $1.442695020e+00, v1  }
0x5f: {  	v24 =	vimm.s32 $0x0;
	v25 =	vld [tilespmem:$0x1FDD0];
	[tilespmem:$0x1FEA0] =	vst v11;
	v11 =	vsel vm0, $0xFFFFFFFF, v15;
	vm0 =	vnez.u8 v23  }
0x60: {  	v27 =	vld [tilespmem:$0x1FDF0];
	(erf) = vpow2.f32 v1;
	v1 =	vsel vm4, v14, v4;
	vm15 =	vnez.u8 v3  }
0x61: {  	v22 =	vld [tilespmem:$0x1F0];
	v2 =	vsel vm1, v18, v2;
	v3 =	vsel vm15, $0x5, v7;
	vm15 =	vgt.f32 v18, v1  }
0x62: {  	vm1 =	vnez.u8 v26;
	v7 =	vsel vm0, $0x5, v8;
	v2 =	vsel vm15, v1, v2  }
0x63: {  	v3 =	vsel vm0, v8, v3;
	v1 =	vsel vm15, v18, v1;
	vm2 =	vgt.f32 v21, v2  }
0x64: {  	vm0 =	vnez.u8 v25;
	vm3 =	vgt.f32 v21, v1;
	v2 =	vsel vm2, v21, v2  }
0x65: {  	vm0 =	vmand vm0, vm1;
	vm1 =	vnez.u8 v27;
	v2 =	vsel vm3, v1, v2  }
0x66: {  	v29 =	vld [tilespmem:$0x1FE00];
	v3 =	vsel vm1, $0x6, v3;
	v1 =	vsel vm3, v21, v1;
	vm1 =	vgt.f32 v22, v2  }
0x67: {  	v31 =	vld [tilespmem:$0x1FE10];
	v6 =	vsel vm2, $0xFFFFFFFF, v24;
	vm2 =	vgt.f32 v22, v1;
	v2 =	vsel vm1, v22, v2  }
0x68: {  	v2 =	vsel vm2, v1, v2  }
0x69: {  	v32 =	vld [tilespmem:$0x1FE20]  }
0x6a: {  	v34 =	vld [tilespmem:$0x1FE30];
	v33 =	vpop (erf);
	v1 =	vsel vm2, v22, v1  }
0x6b: {  	v35 =	vld [tilespmem:$0x1FE40];
	v28 =	vsel vm0, $0x1, v0;
	vm0 =	vnez.u8 v29;
	v1 =	vsub.f32 v2, v1;
	v2 =	vpop (erf)  }
0x6c: {  	v36 =	vld [tilespmem:$0x1FE50];
	v8 =	vsel vm0, $0x1, v0;
	vm0 =	vnez.u8 v31;
	v2 =	vadd.f32 $1.000000000e+00, v2  }
0x6d: {  	v37 =	vld [tilespmem:$0x1FE60];
	[tilespmem:$0x1FFE0] =	vst v6;
	v6 =	vsel vm0, $0x2, v28  }
0x6e: {  	vm0 =	vnez.u8 v32;
	v1 =	vmul.f32 $1.442695020e+00, v1;
	(erf) = vrcp.f32 v2;
	v2 =	vld [tilespmem:$0x1FE70]  }
0x6f: {  	v39 =	vld [tilespmem:$0x1FE80];
	v6 =	vsel vm0, v8, v6;
	v8 =	vsel vm0, $0x2, v8;
	vm0 =	vnez.u8 v34  }
0x70: {  	v6 =	vsel vm0, $0x3, v6;
	vm0 =	vnez.u8 v35;
	(erf) = vpow2.f32 v1;
	v1 =	vld [tilespmem:$0x1FE90]  }
0x71: {  	v6 =	vsel vm0, v8, v6;
	v8 =	vsel vm0, $0x3, v8;
	vm0 =	vnez.u8 v36  }
0x72: {  	v6 =	vsel vm0, $0x4, v6;
	vm0 =	vnez.u8 v37  }
0x73: {  	v3 =	vsel vm0, v7, v3;
	v7 =	vsel vm0, $0x6, v7;
	vm0 =	vnez.u8 v2  }
0x74: {  	v2 =	vsel vm0, v8, v6;
	v38 =	vsel vm0, $0x4, v8;
	vm0 =	vnez.u8 v39  }
0x75: {  	v2 =	vsel vm0, $0x5, v2;
	vm0 =	vnez.u8 v1  }
0x76: {  	v1 =	vsel vm0, $0x7, v3;
	v3 =	vld [tilespmem:$0x1FEA0];
	_ =	sdelay $0x4  }
0x77: {  	vm0 =	vnez.u8 v3;
	v3 =	vld [tilespmem:$0x1FEB0];
	_ =	sdelay $0x3  }
0x78: {  	v30 =	vimm.s32 $0x0  }
0x79: {  	v9 =	vsel vm1, $0xFFFFFFFF, v30;
	vm1 =	vnez.u8 v3;
	v3 =	vld [tilespmem:$0x1FEC0]  }
0x7a: {  	v40 =	vld [tilespmem:$0x1FED0]  }
0x7b: {  	v42 =	vld [tilespmem:$0x1FEE0]  }
0x7c: {  	v43 =	vld [tilespmem:$0x1FEF0]  }
0x7d: {  	v44 =	vld [tilespmem:$0x1FF00]  }
0x7e: {  	v46 =	vld [tilespmem:$0x1FF20];
	vm1 =	vmand vm0, vm1;
	vm0 =	vnez.u8 v3  }
0x7f: {  	v47 =	vld [tilespmem:$0x1FF30];
	v2 =	vsel vm0, v38, v2;
	v3 =	vsel vm0, $0x5, v38;
	vm0 =	vnez.u8 v40  }
0x80: {  	v2 =	vsel vm0, $0x6, v2;
	vm0 =	vnez.u8 v42  }
0x81: {  	v45 =	vld [tilespmem:$0x1FF10];
	v41 =	vsel vm1, $0x1, v0;
	v8 =	vsel vm0, $0x1, v0;
	vm0 =	vnez.u8 v43  }
0x82: {  	v6 =	vsel vm0, $0x2, v41  }
0x83: {  	v6 =	vsel vm14, v8, v6;
	v8 =	vsel vm14, $0x2, v8;
	vm14 =	vnez.u8 v46  }
0x84: {  	v48 =	vld [tilespmem:$0x1FF40];
	vm0 =	vnez.u8 v44;
	v6 =	vsel vm14, $0x3, v6;
	vm14 =	vnez.u8 v47  }
0x85: {  	v53 =	vld [tilespmem:$0x1FF70];
	v2 =	vsel vm0, v3, v2;
	v1 =	vsel vm14, v7, v1  }
0x86: {  	v51 =	vld [tilespmem:$0x1FF60];
	v3 =	vsel vm0, $0x6, v3;
	vm0 =	vnez.u8 v45;
	[tilespmem:$0x400] =	vst v1;
	v1 =	vsub.f32 $1.000000000e+00, v17  }
0x87: {  	v49 =	vld [tilespmem:$0x1FF50];
	v2 =	vsel vm0, $0x7, v2  }
0x88: {  	v7 =	vsel vm14, $0x7, v7;
	v2 =	vsel vm12, v3, v2;
	[tilespmem:$0x800] =	vst v1;
	v1 =	vld [tilespmem:$0x1FFA0]  }
0x89: {  	[tilespmem:$0x1FFC0] =	vst v11;
	v55 =	vld [tilespmem:$0x1FF80];
	v6 =	vsel vm13, v8, v6;
	v3 =	vsel vm12, $0x7, v3;
	vm14 =	vnez.u8 v48  }
0x8a: {  	v61 =	vld [tilespmem:$0x1FFC0];
	v8 =	vsel vm13, $0x3, v8;
	vm13 =	vnez.u8 v53;
	v6 =	vsel vm14, $0x4, v6  }
0x8b: {  	[tilespmem:$0x1FF90] =	vst v5;
	vm12 =	vnez.u8 v51;
	v11 =	vsel vm13, $0x1, v0;
	v6 =	vsel vm8, v8, v6  }
0x8c: {  	v58 =	vld [tilespmem:$0x1FF90];
	v8 =	vsel vm8, $0x4, v8;
	vm8 =	vnez.u8 v49;
	v6 =	vsel vm12, $0x5, v6  }
0x8d: {  	[tilespmem:$0x1FFB0] =	vst v10;
	v6 =	vsel vm10, v8, v6;
	v8 =	vsel vm10, $0x5, v8;
	vm10 =	vnez.u8 v1  }
0x8e: {  	vm14 =	vnez.u8 v55;
	[tilespmem:$0x280] =	vst v3;
	v3 =	vld [tilespmem:$0x1FFB0];
	vm0 =	vmand vm8, vm11;
	v1 =	vsel vm10, $0x6, v6  }
0x8f: {  	vm12 =	vnez.u8 v61;
	v52 =	vsel vm0, $0x1, v0;
	v1 =	vsel vm9, v8, v1  }
0x90: {  	v63 =	vld [tilespmem:$0x1FFD0];
	v10 =	vsel vm14, $0x2, v52;
	v60 =	vsel vm9, $0x6, v8;
	v1 =	vsel vm12, $0x7, v1  }
0x91: {  	vm8 =	vnez.u8 v58;
	v56 =	vsel vm6, v11, v10;
	v1 =	vsel vm7, v60, v1  }
0x92: {  	v57 =	vsel vm6, $0x2, v11;
	v5 =	vsel vm8, $0x3, v56;
	[tilespmem:$0x500] =	vst v1;
	v1 =	vld [tilespmem:$0x1FFE0]  }
0x93: {  	v50 =	vpop (erf);
	vm11 =	vnez.u8 v3;
	v5 =	vsel vm5, v57, v5  }
0x94: {  	v54 =	vpop (erf);
	[tilespmem:$0x480] =	vst v2;
	v2 =	vsub.f32 $1.000000000e+00, v33;
	v59 =	vsel vm5, $0x3, v57;
	v3 =	vsel vm11, $0x4, v5  }
0x95: {  	[tilespmem:$0x200] =	vst v7;
	v7 =	vadd.f32 $1.000000000e+00, v54;
	vm13 =	vnez.u8 v63;
	v3 =	vsel vm4, v59, v3  }
0x96: {  	[tilespmem:$0x880] =	vst v2;
	v62 =	vsel vm4, $0x4, v59;
	v2 =	vsel vm7, $0x7, v60;
	v3 =	vsel vm13, $0x5, v3  }
0x97: {  	[tilespmem:$0x300] =	vst v2;
	v2 =	vsel vm15, v62, v3;
	vm14 =	vnez.u8 v1  }
0x98: {  	(erf) = vrcp.f32 v7;
	v1 =	vsel vm14, $0x6, v2;
	v2 =	vsub.f32 $1.000000000e+00, v50  }
0x99: {  	[tilespmem:$0x1FFF0] =	vst v9  }
0x9a: {  	[tilespmem:$0x900] =	vst v2;
	v2 =	vld [tilespmem:$0x1FFF0];
	_ =	sdelay $0x2  }
0x9b: {  	v3 =	vsel vm15, $0x5, v62  }
0x9c: {  	[tilespmem:$0x600] =	vst v17;
	v1 =	vsel vm3, v3, v1;
	v3 =	vsel vm3, $0x6, v3  }
0x9d: {  	[tilespmem:$0x680] =	vst v33;
	vm15 =	vnez.u8 v2  }
0x9e: {  	[tilespmem:$0x700] =	vst v50;
	v2 =	vsel vm2, $0x7, v3;
	v1 =	vsel vm15, $0x7, v1  }
0x9f: {  	[tilespmem:$0x380] =	vst v2;
	v1 =	vsel vm2, v3, v1;
	v3 =	vpop (erf)  }
0xa0: {  	[tilespmem:$0x580] =	vst v1;
	v1 =	vsub.f32 $1.000000000e+00, v3  }
0xa1: {  	[tilespmem:$0x780] =	vst v3  }
0xa2: {  	[tilespmem:$0x980] =	vst v1  }
0xa3: {  	[hbm4b:s2+s6] =	stream.linear.scatter [tilespmem:s8], [sflag:$0x1], $0x400, $0x38;
	[tilespmem:$0xA00] =	vst v63  }
0xa4: {  	_ =	swait.ge [sflag:s7], $0x400  }
0xa5: {  	p0 =	sne.s32 s5, $0x1;
	[sflag:s7] =	ssyncset.done $0x0  }
.Ltmp1:
0xa6: {  	[sflag:s7] =	ssyncadd.s32 $0xFFFFFC00;
	(pc) =	sbr.rel @p0 .LBB2_2-.Ltmp1, $4  }
0xa7: {  	[hbm4b:s4+s6] =	stream.linear.scatter [tilespmem:s9], [sflag:$0x1], $0x400, $0x38;
	[tilespmem:$0xA00] =	vst v63  }
0xa8: {  	_ =	swait.ge [sflag:s7], $0x400  }
0xa9: {  	[sflag:s7] =	ssyncset.done $0x0  }
0xaa: {  	s5 =	sadd.s32 $0xFFFFFFFF, s5;
	[sflag:s7] =	ssyncadd.s32 $0xFFFFFC00  }
.LBB2_3:
0xab: {  	_ =	sfence.sel $0x180000  }
0xac: {  	[bflag:$0x0] =	sbarrier.arrive $0xFFFF  }
0xad: {  	p0 =	sne.s32 s0, $0x0;
	_ =	strace $0x90000047  }
0xae: {  	s0 =	sadd.s32 @!p0 $0x100000, s1;
	[bflag:$0x2] =	sbarrier.arrive $0xFFFF  }
0xaf: {  	[sflag:s0] =	ssyncadd.tile.s32 @!p0 $0x1;
	_ =	shalt  }
.Lfunc_end2:
_tile_overlayer_lowered:
.L_overlay_start_2:
0xb0: {  	(tag) =	ssettag $0x2  }
0xb1: {  	s0 =	rddreg [dreg:$0x0];
	s2 =	stileid.u32  }
0xb2: {  	s1 =	rddreg [dreg:$0x1];
	p0 =	sne.s32 s2, $0x0  }
0xb3: {  	s3 =	rddreg [dreg:$0x2];
	[bflag:$0x3] =	sbarrier.arrive $0xFFFF;
	s2 =	simm.s32 @!p0 $0x1C01  }
0xb4: {  	[timem:s3], [sflag:s2] =	dma.local @!p0 [hbm:s0], s1  }
0xb5: {  	s0 =	simm.s32 @!p0 $0x1  }
0xb6: {  	_ =	swait.ge @!p0 [sflag:s0], s1  }
0xb7: {  	s1 =	ssub.s32 @!p0 $0x0, s1;
	[sflag:s0] =	ssyncset.done @!p0 $0x0  }
0xb8: {  	[sflag:s0] =	ssyncadd.s32 @!p0 s1  }
0xb9: {  	[bflag:$0x3] =	sbarrier.arrive $0xFFFF  }
0xba: {  	_ =	shalt  }

</sc_bundles>
